<compile_context>
chip_gen: v7x
topology: tpu7x:2x2x1
jax: 0.10.2.dev20260603
libtpu: 0.0.44.dev20260713+nightly
codegen_flags: <defaults>
</compile_context>

<pallas_src>
import functools

import jax
import jax.numpy as jnp
from jax import lax
from jax.experimental import pallas as pl
from jax.experimental.pallas import tpu as pltpu
from jax.experimental.pallas import tpu_sc as plsc

N_DIM = 32
E_DIM = 16
M_DIM = 32
HID = 128
N_EDGE = 160000
N_NODE = 10000

BLK = 4096
GRP = 128
N_WORKER = 32
G_PER_W = 40
N_GRP_PAD = N_WORKER * G_PER_W
N_EDGE_PAD = N_GRP_PAD * GRP
CHUNK = 10
N_NODE_PAD = 10240
DUMMY = N_NODE
STRIPE = N_NODE_PAD // 16


def _mvw_body(et_ref, hwt_ref, w1t_ref, b1_ref, w2t_ref, b2m_ref, st_ref, out_ref):
    hw_t = hwt_ref[...]
    h_t = jnp.maximum(jnp.dot(w1t_ref[...], et_ref[...]) + b1_ref[...], 0.0)
    a_t = jnp.dot(w2t_ref[...], h_t.astype(jnp.bfloat16),
                  preferred_element_type=jnp.float32).astype(jnp.bfloat16)
    prod_t = a_t * jnp.tile(hw_t.astype(jnp.bfloat16), (M_DIM, 1))
    m_t = jnp.dot(st_ref[...], prod_t, preferred_element_type=jnp.float32)
    m_t = m_t + jnp.dot(b2m_ref[...], hw_t)
    q_len = BLK // 4
    for q in range(4):
        out_ref[:, q * M_DIM:(q + 1) * M_DIM] = m_t[:, q * q_len:(q + 1) * q_len].T


def _compute_mvw(e_vw_t, h_w_t, W1t, b1, W2t, b2, sel_t):
    grid = (pl.cdiv(N_EDGE, BLK),)
    return pl.pallas_call(
        _mvw_body,
        grid=grid,
        in_specs=[
            pl.BlockSpec((E_DIM, BLK), lambda i: (0, i)),
            pl.BlockSpec((N_DIM, BLK), lambda i: (0, i)),
            pl.BlockSpec((HID, E_DIM), lambda i: (0, 0)),
            pl.BlockSpec((HID, 1), lambda i: (0, 0)),
            pl.BlockSpec((N_DIM * M_DIM, HID), lambda i: (0, 0)),
            pl.BlockSpec((M_DIM, N_DIM), lambda i: (0, 0)),
            pl.BlockSpec((M_DIM, N_DIM * M_DIM), lambda i: (0, 0)),
        ],
        out_specs=pl.BlockSpec((BLK // 4, 4 * M_DIM), lambda i: (i, 0)),
        out_shape=jax.ShapeDtypeStruct((N_EDGE_PAD // 4, 4 * M_DIM), jnp.float32),
        compiler_params=pltpu.CompilerParams(
            dimension_semantics=("parallel",),
        ),
    )(e_vw_t, h_w_t, W1t, b1.reshape(HID, 1), W2t, b2.reshape(M_DIM, N_DIM),
      sel_t)


def _make_scatter():
    mesh = plsc.VectorSubcoreMesh(core_axis_name="c", subcore_axis_name="s")

    @functools.partial(
        pl.kernel,
        mesh=mesh,
        out_type=jax.ShapeDtypeStruct((2, N_NODE_PAD, M_DIM), jnp.float32),
        scratch_types=[
            pltpu.VMEM((G_PER_W, GRP), jnp.int32),
            pltpu.VMEM((CHUNK * GRP, M_DIM), jnp.float32),
            pltpu.VMEM_SHARED((N_NODE_PAD, M_DIM), jnp.float32),
        ],
        compiler_params=pltpu.CompilerParams(use_tc_tiling_on_sc=False),
    )
    def scatter(mvw_hbm, idx_hbm, zero_hbm, out_hbm, idx_v, rows_v, acc_sh):
        c = lax.axis_index("c")
        s = lax.axis_index("s")
        wid = s * 2 + c
        base_g = wid * G_PER_W

        pltpu.sync_copy(zero_hbm.at[pl.ds(s * STRIPE, STRIPE)],
                        acc_sh.at[pl.ds(s * STRIPE, STRIPE)])

        pltpu.sync_copy(idx_hbm.at[pl.ds(base_g, G_PER_W)], idx_v)

        plsc.subcore_barrier()

        def chunk_body(t, _):
            pltpu.sync_copy(
                mvw_hbm.at[pl.ds((base_g + t * CHUNK) * GRP, CHUNK * GRP)],
                rows_v)
            for j in range(CHUNK):
                pltpu.sync_copy(rows_v.at[pl.ds(j * GRP, GRP)],
                                acc_sh.at[idx_v.at[t * CHUNK + j]],
                                add=True)
            return 0

        lax.fori_loop(0, G_PER_W // CHUNK, chunk_body, 0)

        plsc.subcore_barrier()

        pltpu.sync_copy(acc_sh.at[pl.ds(s * STRIPE, STRIPE)],
                        out_hbm.at[c, pl.ds(s * STRIPE, STRIPE)])

    return scatter


_scatter_kernel = _make_scatter()


def _combine_body(p_ref, o_ref):
    o_ref[...] = p_ref[0] + p_ref[1]


def _combine(partials):
    return pl.pallas_call(
        _combine_body,
        out_shape=jax.ShapeDtypeStruct((N_NODE_PAD, M_DIM), jnp.float32),
    )(partials)


def kernel(index_v, h_w, e_vw, n_node, W1, b1, W2, b2):
    sel_t = (jnp.arange(N_DIM * M_DIM, dtype=jnp.int32)[None, :] // N_DIM
             == jnp.arange(M_DIM, dtype=jnp.int32)[:, None]).astype(jnp.bfloat16)
    m_vw = _compute_mvw(e_vw.T, h_w.T, W1.T, b1, W2.T.astype(jnp.bfloat16),
                        b2, sel_t)
    m_vw = m_vw.reshape(N_EDGE_PAD, M_DIM)
    idx_pad = jnp.concatenate([
        index_v.astype(jnp.int32),
        jnp.full((N_EDGE_PAD - N_EDGE,), DUMMY, jnp.int32),
    ])
    idx_pad = (idx_pad.reshape(N_EDGE_PAD // BLK, 4, BLK // 4)
               .transpose(0, 2, 1).reshape(-1))
    idx2d = idx_pad.reshape(N_GRP_PAD, GRP)
    zeros = jnp.zeros((N_NODE_PAD, M_DIM), jnp.float32)
    partials = _scatter_kernel(m_vw, idx2d, zeros)
    return _combine(partials)[:N_NODE]

# --- scband reference (transcript-rebuilt; emitter-appended) ---
"""Pipeline reference for scband-message-function-8796093022562 (READ-ONLY COPY).

The authoritative reference and input builder live on the scoring server;
editing this copy changes nothing except your own understanding.
"""

import jax, jax.numpy as jnp
import numpy as np

N_DIM = 32
E_DIM = 16
M_DIM = 32
HID = 128
N_EDGE = 160000
N_NODE = 10000


def setup_inputs(seed: int = 0) -> dict:
    key = jax.random.key(seed)
    k1, k2, k3, k4, k5, k6, k7 = jax.random.split(key, 7)
    index_v = jax.random.randint(k1, (N_EDGE,), 0, N_NODE, dtype=jnp.int64 if jax.config.jax_enable_x64 else jnp.int32)
    h_w = jax.random.normal(k2, (N_EDGE, N_DIM), dtype=jnp.float32)
    e_vw = jax.random.normal(k3, (N_EDGE, E_DIM), dtype=jnp.float32)
    # NNet params: MLP e_dim -> 128 -> n_dim*m_dim (Linear, ReLU, Linear)
    W1 = jax.random.normal(k4, (E_DIM, HID), dtype=jnp.float32) * (1.0 / np.sqrt(E_DIM))
    b1 = jax.random.normal(k5, (HID,), dtype=jnp.float32) * 0.01
    W2 = jax.random.normal(k6, (HID, N_DIM * M_DIM), dtype=jnp.float32) * (1.0 / np.sqrt(HID))
    b2 = jax.random.normal(k7, (N_DIM * M_DIM,), dtype=jnp.float32) * 0.01
    return {"index_v": index_v, "h_w": h_w, "e_vw": e_vw, "n_node": N_NODE,
            "W1": W1, "b1": b1, "W2": W2, "b2": b2}


def reference(index_v, h_w, e_vw, n_node, W1, b1, W2, b2):
    # NNet: edge features -> per-edge matrix A_vw of shape [E, m_dim, n_dim]
    h = jnp.maximum(e_vw @ W1 + b1, 0.0)
    A_vw = (h @ W2 + b2).reshape(-1, M_DIM, N_DIM)
    # bmm(A_vw, h_w.unsqueeze(-1)).squeeze() -> [E, m_dim]
    m_vw = jnp.einsum('emn,en->em', A_vw, h_w)
    # index_add_ scatter-accumulate messages to target nodes
    scatter_idx = index_v + jnp.asarray(n_node, dtype=index_v.dtype) * 0
    m_v = jnp.zeros((N_NODE, M_DIM), dtype=m_vw.dtype).at[scatter_idx].add(m_vw)
    return m_v

if __name__ == "__main__":
    import jax
    _d = setup_inputs()
    print(jax.jit(kernel)(*tuple(_d.values())))

</pallas_src>

<mosaic_0001>
#map = affine_map<(d0, d1) -> (0, 0)>
#map1 = affine_map<(d0, d1) -> (0, 0, 0)>
module attributes {stable_mosaic.version = 14 : i64} {
  func.func @scatter(%arg0: i32, %arg1: i32, %arg2: memref<163840x32xf32, #tpu.memory_space<hbm>>, %arg3: memref<1280x128xi32, #tpu.memory_space<hbm>>, %arg4: memref<10240x32xf32, #tpu.memory_space<hbm>>, %arg5: memref<2x10240x32xf32, #tpu.memory_space<hbm>>, %arg6: memref<40x128xi32, #tpu.memory_space<vmem>>, %arg7: memref<1280x32xf32, #tpu.memory_space<vmem>>, %arg8: memref<10240x32xf32, #tpu.memory_space<vmem_shared>>) attributes {dimension_semantics = [#tpu.dimension_semantics<core_parallel>, #tpu.dimension_semantics<subcore_parallel>], iteration_bounds = array<i64: 2, 16>, scalar_prefetch = 0 : i64, scratch_operands = 3 : i64, tpu.core_type = #tpu.core_type<sc_vector_subcore>, window_params = [{transform_indices = #map}, {transform_indices = #map}, {transform_indices = #map}, {transform_indices = #map1}]} {
    %mul3A = arith.constant 2 : i32
    %mul3A_0 = arith.muli %arg1, %mul3A : i32
    %add3A = arith.addi %mul3A_0, %arg0 : i32
    %mul3A_1 = arith.constant 40 : i32
    %mul3A_2 = arith.muli %add3A, %mul3A_1 : i32
    %mul3A_3 = arith.constant 640 : i32
    %mul3A_4 = arith.muli %arg1, %mul3A_3 : i32
    %mul3A_5 = arith.constant 640 : i32
    %mul3A_6 = arith.muli %arg1, %mul3A_5 : i32
    "tpu.region"() ({
      %run_scoped3A = tpu.sem_alloc : memref<!tpu.dma_semaphore, #tpu.memory_space<semaphore_mem>>
      %dma_start3A = arith.constant 0 : i32
      %dma_start3A_18 = tpu.memref_slice %arg8[%mul3A_6, %dma_start3A] : memref<10240x32xf32, #tpu.memory_space<vmem_shared>> -> memref<640x32xf32, #tpu.memory_space<vmem_shared>>
      %dma_start3A_19 = arith.constant 0 : i32
      %dma_start3A_20 = tpu.memref_slice %arg4[%mul3A_4, %dma_start3A_19] : memref<10240x32xf32, #tpu.memory_space<hbm>> -> memref<640x32xf32, #tpu.memory_space<hbm>>
      tpu.enqueue_dma source(%dma_start3A_20 : memref<640x32xf32, #tpu.memory_space<hbm>>) target(%dma_start3A_18 : memref<640x32xf32, #tpu.memory_space<vmem_shared>>) target_semaphore(%run_scoped3A : memref<!tpu.dma_semaphore, #tpu.memory_space<semaphore_mem>>)
      %dma_wait3A = arith.constant 0 : i32
      %dma_wait3A_21 = tpu.memref_slice %arg8[%mul3A_6, %dma_wait3A] : memref<10240x32xf32, #tpu.memory_space<vmem_shared>> -> memref<640x32xf32, #tpu.memory_space<vmem_shared>>
      %dma_wait3A_22 = arith.constant 0 : i32
      %dma_wait3A_23 = tpu.memref_slice %arg4[%mul3A_4, %dma_wait3A_22] : memref<10240x32xf32, #tpu.memory_space<hbm>> -> memref<640x32xf32, #tpu.memory_space<hbm>>
      tpu.wait_dma2 semaphore(%run_scoped3A : memref<!tpu.dma_semaphore, #tpu.memory_space<semaphore_mem>>) src(%dma_wait3A_23 : memref<640x32xf32, #tpu.memory_space<hbm>>) dst(%dma_wait3A_21 : memref<640x32xf32, #tpu.memory_space<vmem_shared>>)
      tpu.yield
    }) : () -> ()
    "tpu.region"() ({
      %run_scoped3A = tpu.sem_alloc : memref<!tpu.dma_semaphore, #tpu.memory_space<semaphore_mem>>
      %dma_start3A = arith.constant 0 : i32
      %dma_start3A_18 = tpu.memref_slice %arg3[%mul3A_2, %dma_start3A] : memref<1280x128xi32, #tpu.memory_space<hbm>> -> memref<40x128xi32, #tpu.memory_space<hbm>>
      %dma_start3A_19 = arith.constant 0 : i32
      %dma_start3A_20 = tpu.memref_slice %arg3[%mul3A_2, %dma_start3A_19] : memref<1280x128xi32, #tpu.memory_space<hbm>> -> memref<40x128xi32, #tpu.memory_space<hbm>>
      tpu.enqueue_dma source(%dma_start3A_20 : memref<40x128xi32, #tpu.memory_space<hbm>>) target(%arg6 : memref<40x128xi32, #tpu.memory_space<vmem>>) target_semaphore(%run_scoped3A : memref<!tpu.dma_semaphore, #tpu.memory_space<semaphore_mem>>)
      %dma_wait3A = arith.constant 0 : i32
      %dma_wait3A_21 = tpu.memref_slice %arg3[%mul3A_2, %dma_wait3A] : memref<1280x128xi32, #tpu.memory_space<hbm>> -> memref<40x128xi32, #tpu.memory_space<hbm>>
      %dma_wait3A_22 = arith.constant 0 : i32
      %dma_wait3A_23 = tpu.memref_slice %arg3[%mul3A_2, %dma_wait3A_22] : memref<1280x128xi32, #tpu.memory_space<hbm>> -> memref<40x128xi32, #tpu.memory_space<hbm>>
      tpu.wait_dma2 semaphore(%run_scoped3A : memref<!tpu.dma_semaphore, #tpu.memory_space<semaphore_mem>>) src(%dma_wait3A_23 : memref<40x128xi32, #tpu.memory_space<hbm>>) dst(%arg6 : memref<40x128xi32, #tpu.memory_space<vmem>>)
      tpu.yield
    }) : () -> ()
    %barrier3A = arith.constant 0 : index
    tpu.barrier barrier_id(%barrier3A)
    %scan3A = arith.constant 0 : i32
    %scan3A_7 = arith.constant 0 : i32
    %scan3A_8 = arith.constant 4 : i32
    %scan3A_9 = arith.addi %scan3A_7, %scan3A_8 : i32
    %scan3A_10 = arith.constant 1 : i32
    %scan3A_11 = scf.for %scan3A_18 = %scan3A_7 to %scan3A_9 step %scan3A_10 iter_args(%scan3A_19 = %scan3A) -> (i32)  : i32 {
      %mul3A_20 = arith.constant 10 : i32
      %mul3A_21 = arith.muli %scan3A_18, %mul3A_20 : i32
      %add3A_22 = arith.addi %mul3A_2, %mul3A_21 : i32
      %mul3A_23 = arith.constant 128 : i32
      %mul3A_24 = arith.muli %add3A_22, %mul3A_23 : i32
      "tpu.region"() ({
        %run_scoped3A = tpu.sem_alloc : memref<!tpu.dma_semaphore, #tpu.memory_space<semaphore_mem>>
        %dma_start3A = arith.constant 0 : i32
        %dma_start3A_66 = tpu.memref_slice %arg2[%mul3A_24, %dma_start3A] : memref<163840x32xf32, #tpu.memory_space<hbm>> -> memref<1280x32xf32, #tpu.memory_space<hbm>>
        %dma_start3A_67 = arith.constant 0 : i32
        %dma_start3A_68 = tpu.memref_slice %arg2[%mul3A_24, %dma_start3A_67] : memref<163840x32xf32, #tpu.memory_space<hbm>> -> memref<1280x32xf32, #tpu.memory_space<hbm>>
        tpu.enqueue_dma source(%dma_start3A_68 : memref<1280x32xf32, #tpu.memory_space<hbm>>) target(%arg7 : memref<1280x32xf32, #tpu.memory_space<vmem>>) target_semaphore(%run_scoped3A : memref<!tpu.dma_semaphore, #tpu.memory_space<semaphore_mem>>)
        %dma_wait3A = arith.constant 0 : i32
        %dma_wait3A_69 = tpu.memref_slice %arg2[%mul3A_24, %dma_wait3A] : memref<163840x32xf32, #tpu.memory_space<hbm>> -> memref<1280x32xf32, #tpu.memory_space<hbm>>
        %dma_wait3A_70 = arith.constant 0 : i32
        %dma_wait3A_71 = tpu.memref_slice %arg2[%mul3A_24, %dma_wait3A_70] : memref<163840x32xf32, #tpu.memory_space<hbm>> -> memref<1280x32xf32, #tpu.memory_space<hbm>>
        tpu.wait_dma2 semaphore(%run_scoped3A : memref<!tpu.dma_semaphore, #tpu.memory_space<semaphore_mem>>) src(%dma_wait3A_71 : memref<1280x32xf32, #tpu.memory_space<hbm>>) dst(%arg7 : memref<1280x32xf32, #tpu.memory_space<vmem>>)
        tpu.yield
      }) : () -> ()
      %mul3A_25 = arith.constant 10 : i32
      %mul3A_26 = arith.muli %scan3A_18, %mul3A_25 : i32
      %add3A_27 = arith.constant 0 : i32
      %add3A_28 = arith.addi %mul3A_26, %add3A_27 : i32
      "tpu.region"() ({
        %run_scoped3A = tpu.sem_alloc : memref<!tpu.dma_semaphore, #tpu.memory_space<semaphore_mem>>
        %dma_start3A = arith.constant 0 : i32
        %dma_start3A_66 = arith.constant 0 : i32
        %dma_start3A_67 = tpu.memref_slice %arg7[%dma_start3A, %dma_start3A_66] : memref<1280x32xf32, #tpu.memory_space<vmem>> -> memref<128x32xf32, #tpu.memory_space<vmem>>
        %dma_start3A_68 = arith.constant 0 : i32
        %dma_start3A_69 = tpu.memref_slice %arg6[%add3A_28, %dma_start3A_68] : memref<40x128xi32, #tpu.memory_space<vmem>> -> memref<1x128xi32, #tpu.memory_space<vmem>>
        %dma_start3A_70 = tpu.memref_squeeze %dma_start3A_69 : memref<1x128xi32, #tpu.memory_space<vmem>> -> memref<128xi32, #tpu.memory_space<vmem>>
        %dma_start3A_71 = arith.constant 0 : i32
        %dma_start3A_72 = arith.constant 0 : i32
        %dma_start3A_73 = tpu.memref_slice %arg8[%dma_start3A_71, %dma_start3A_72] : memref<10240x32xf32, #tpu.memory_space<vmem_shared>> -> memref<10240x32xf32, #tpu.memory_space<vmem_shared>>
        tpu.enqueue_indirect_dma source(%dma_start3A_67 : memref<128x32xf32, #tpu.memory_space<vmem>>) target(%dma_start3A_73 : memref<10240x32xf32, #tpu.memory_space<vmem_shared>>) offsets(%dma_start3A_70 : memref<128xi32, #tpu.memory_space<vmem>>) semaphore(%run_scoped3A : memref<!tpu.dma_semaphore, #tpu.memory_space<semaphore_mem>>) {add = true}
        %dma_wait3A = arith.constant 0 : i32
        %dma_wait3A_74 = arith.constant 0 : i32
        %dma_wait3A_75 = tpu.memref_slice %arg7[%dma_wait3A, %dma_wait3A_74] : memref<1280x32xf32, #tpu.memory_space<vmem>> -> memref<128x32xf32, #tpu.memory_space<vmem>>
        %dma_wait3A_76 = arith.constant 0 : i32
        %dma_wait3A_77 = tpu.memref_slice %arg6[%add3A_28, %dma_wait3A_76] : memref<40x128xi32, #tpu.memory_space<vmem>> -> memref<1x128xi32, #tpu.memory_space<vmem>>
        %dma_wait3A_78 = tpu.memref_squeeze %dma_wait3A_77 : memref<1x128xi32, #tpu.memory_space<vmem>> -> memref<128xi32, #tpu.memory_space<vmem>>
        %dma_wait3A_79 = arith.constant 0 : i32
        %dma_wait3A_80 = arith.constant 0 : i32
        %dma_wait3A_81 = tpu.memref_slice %arg8[%dma_wait3A_79, %dma_wait3A_80] : memref<10240x32xf32, #tpu.memory_space<vmem_shared>> -> memref<10240x32xf32, #tpu.memory_space<vmem_shared>>
        tpu.wait_indirect_dma semaphore(%run_scoped3A : memref<!tpu.dma_semaphore, #tpu.memory_space<semaphore_mem>>) src(%dma_wait3A_75 : memref<128x32xf32, #tpu.memory_space<vmem>>) dst(%dma_wait3A_81 : memref<10240x32xf32, #tpu.memory_space<vmem_shared>>)
        tpu.yield
      }) : () -> ()
      %mul3A_29 = arith.constant 10 : i32
      %mul3A_30 = arith.muli %scan3A_18, %mul3A_29 : i32
      %add3A_31 = arith.constant 1 : i32
      %add3A_32 = arith.addi %mul3A_30, %add3A_31 : i32
      "tpu.region"() ({
        %run_scoped3A = tpu.sem_alloc : memref<!tpu.dma_semaphore, #tpu.memory_space<semaphore_mem>>
        %dma_start3A = arith.constant 128 : i32
        %dma_start3A_66 = arith.constant 0 : i32
        %dma_start3A_67 = tpu.memref_slice %arg7[%dma_start3A, %dma_start3A_66] : memref<1280x32xf32, #tpu.memory_space<vmem>> -> memref<128x32xf32, #tpu.memory_space<vmem>>
        %dma_start3A_68 = arith.constant 0 : i32
        %dma_start3A_69 = tpu.memref_slice %arg6[%add3A_32, %dma_start3A_68] : memref<40x128xi32, #tpu.memory_space<vmem>> -> memref<1x128xi32, #tpu.memory_space<vmem>>
        %dma_start3A_70 = tpu.memref_squeeze %dma_start3A_69 : memref<1x128xi32, #tpu.memory_space<vmem>> -> memref<128xi32, #tpu.memory_space<vmem>>
        %dma_start3A_71 = arith.constant 0 : i32
        %dma_start3A_72 = arith.constant 0 : i32
        %dma_start3A_73 = tpu.memref_slice %arg8[%dma_start3A_71, %dma_start3A_72] : memref<10240x32xf32, #tpu.memory_space<vmem_shared>> -> memref<10240x32xf32, #tpu.memory_space<vmem_shared>>
        tpu.enqueue_indirect_dma source(%dma_start3A_67 : memref<128x32xf32, #tpu.memory_space<vmem>>) target(%dma_start3A_73 : memref<10240x32xf32, #tpu.memory_space<vmem_shared>>) offsets(%dma_start3A_70 : memref<128xi32, #tpu.memory_space<vmem>>) semaphore(%run_scoped3A : memref<!tpu.dma_semaphore, #tpu.memory_space<semaphore_mem>>) {add = true}
        %dma_wait3A = arith.constant 128 : i32
        %dma_wait3A_74 = arith.constant 0 : i32
        %dma_wait3A_75 = tpu.memref_slice %arg7[%dma_wait3A, %dma_wait3A_74] : memref<1280x32xf32, #tpu.memory_space<vmem>> -> memref<128x32xf32, #tpu.memory_space<vmem>>
        %dma_wait3A_76 = arith.constant 0 : i32
        %dma_wait3A_77 = tpu.memref_slice %arg6[%add3A_32, %dma_wait3A_76] : memref<40x128xi32, #tpu.memory_space<vmem>> -> memref<1x128xi32, #tpu.memory_space<vmem>>
        %dma_wait3A_78 = tpu.memref_squeeze %dma_wait3A_77 : memref<1x128xi32, #tpu.memory_space<vmem>> -> memref<128xi32, #tpu.memory_space<vmem>>
        %dma_wait3A_79 = arith.constant 0 : i32
        %dma_wait3A_80 = arith.constant 0 : i32
        %dma_wait3A_81 = tpu.memref_slice %arg8[%dma_wait3A_79, %dma_wait3A_80] : memref<10240x32xf32, #tpu.memory_space<vmem_shared>> -> memref<10240x32xf32, #tpu.memory_space<vmem_shared>>
        tpu.wait_indirect_dma semaphore(%run_scoped3A : memref<!tpu.dma_semaphore, #tpu.memory_space<semaphore_mem>>) src(%dma_wait3A_75 : memref<128x32xf32, #tpu.memory_space<vmem>>) dst(%dma_wait3A_81 : memref<10240x32xf32, #tpu.memory_space<vmem_shared>>)
        tpu.yield
      }) : () -> ()
      %mul3A_33 = arith.constant 10 : i32
      %mul3A_34 = arith.muli %scan3A_18, %mul3A_33 : i32
      %add3A_35 = arith.constant 2 : i32
      %add3A_36 = arith.addi %mul3A_34, %add3A_35 : i32
      "tpu.region"() ({
        %run_scoped3A = tpu.sem_alloc : memref<!tpu.dma_semaphore, #tpu.memory_space<semaphore_mem>>
        %dma_start3A = arith.constant 256 : i32
        %dma_start3A_66 = arith.constant 0 : i32
        %dma_start3A_67 = tpu.memref_slice %arg7[%dma_start3A, %dma_start3A_66] : memref<1280x32xf32, #tpu.memory_space<vmem>> -> memref<128x32xf32, #tpu.memory_space<vmem>>
        %dma_start3A_68 = arith.constant 0 : i32
        %dma_start3A_69 = tpu.memref_slice %arg6[%add3A_36, %dma_start3A_68] : memref<40x128xi32, #tpu.memory_space<vmem>> -> memref<1x128xi32, #tpu.memory_space<vmem>>
        %dma_start3A_70 = tpu.memref_squeeze %dma_start3A_69 : memref<1x128xi32, #tpu.memory_space<vmem>> -> memref<128xi32, #tpu.memory_space<vmem>>
        %dma_start3A_71 = arith.constant 0 : i32
        %dma_start3A_72 = arith.constant 0 : i32
        %dma_start3A_73 = tpu.memref_slice %arg8[%dma_start3A_71, %dma_start3A_72] : memref<10240x32xf32, #tpu.memory_space<vmem_shared>> -> memref<10240x32xf32, #tpu.memory_space<vmem_shared>>
        tpu.enqueue_indirect_dma source(%dma_start3A_67 : memref<128x32xf32, #tpu.memory_space<vmem>>) target(%dma_start3A_73 : memref<10240x32xf32, #tpu.memory_space<vmem_shared>>) offsets(%dma_start3A_70 : memref<128xi32, #tpu.memory_space<vmem>>) semaphore(%run_scoped3A : memref<!tpu.dma_semaphore, #tpu.memory_space<semaphore_mem>>) {add = true}
        %dma_wait3A = arith.constant 256 : i32
        %dma_wait3A_74 = arith.constant 0 : i32
        %dma_wait3A_75 = tpu.memref_slice %arg7[%dma_wait3A, %dma_wait3A_74] : memref<1280x32xf32, #tpu.memory_space<vmem>> -> memref<128x32xf32, #tpu.memory_space<vmem>>
        %dma_wait3A_76 = arith.constant 0 : i32
        %dma_wait3A_77 = tpu.memref_slice %arg6[%add3A_36, %dma_wait3A_76] : memref<40x128xi32, #tpu.memory_space<vmem>> -> memref<1x128xi32, #tpu.memory_space<vmem>>
        %dma_wait3A_78 = tpu.memref_squeeze %dma_wait3A_77 : memref<1x128xi32, #tpu.memory_space<vmem>> -> memref<128xi32, #tpu.memory_space<vmem>>
        %dma_wait3A_79 = arith.constant 0 : i32
        %dma_wait3A_80 = arith.constant 0 : i32
        %dma_wait3A_81 = tpu.memref_slice %arg8[%dma_wait3A_79, %dma_wait3A_80] : memref<10240x32xf32, #tpu.memory_space<vmem_shared>> -> memref<10240x32xf32, #tpu.memory_space<vmem_shared>>
        tpu.wait_indirect_dma semaphore(%run_scoped3A : memref<!tpu.dma_semaphore, #tpu.memory_space<semaphore_mem>>) src(%dma_wait3A_75 : memref<128x32xf32, #tpu.memory_space<vmem>>) dst(%dma_wait3A_81 : memref<10240x32xf32, #tpu.memory_space<vmem_shared>>)
        tpu.yield
      }) : () -> ()
      %mul3A_37 = arith.constant 10 : i32
      %mul3A_38 = arith.muli %scan3A_18, %mul3A_37 : i32
      %add3A_39 = arith.constant 3 : i32
      %add3A_40 = arith.addi %mul3A_38, %add3A_39 : i32
      "tpu.region"() ({
        %run_scoped3A = tpu.sem_alloc : memref<!tpu.dma_semaphore, #tpu.memory_space<semaphore_mem>>
        %dma_start3A = arith.constant 384 : i32
        %dma_start3A_66 = arith.constant 0 : i32
        %dma_start3A_67 = tpu.memref_slice %arg7[%dma_start3A, %dma_start3A_66] : memref<1280x32xf32, #tpu.memory_space<vmem>> -> memref<128x32xf32, #tpu.memory_space<vmem>>
        %dma_start3A_68 = arith.constant 0 : i32
        %dma_start3A_69 = tpu.memref_slice %arg6[%add3A_40, %dma_start3A_68] : memref<40x128xi32, #tpu.memory_space<vmem>> -> memref<1x128xi32, #tpu.memory_space<vmem>>
        %dma_start3A_70 = tpu.memref_squeeze %dma_start3A_69 : memref<1x128xi32, #tpu.memory_space<vmem>> -> memref<128xi32, #tpu.memory_space<vmem>>
        %dma_start3A_71 = arith.constant 0 : i32
        %dma_start3A_72 = arith.constant 0 : i32
        %dma_start3A_73 = tpu.memref_slice %arg8[%dma_start3A_71, %dma_start3A_72] : memref<10240x32xf32, #tpu.memory_space<vmem_shared>> -> memref<10240x32xf32, #tpu.memory_space<vmem_shared>>
        tpu.enqueue_indirect_dma source(%dma_start3A_67 : memref<128x32xf32, #tpu.memory_space<vmem>>) target(%dma_start3A_73 : memref<10240x32xf32, #tpu.memory_space<vmem_shared>>) offsets(%dma_start3A_70 : memref<128xi32, #tpu.memory_space<vmem>>) semaphore(%run_scoped3A : memref<!tpu.dma_semaphore, #tpu.memory_space<semaphore_mem>>) {add = true}
        %dma_wait3A = arith.constant 384 : i32
        %dma_wait3A_74 = arith.constant 0 : i32
        %dma_wait3A_75 = tpu.memref_slice %arg7[%dma_wait3A, %dma_wait3A_74] : memref<1280x32xf32, #tpu.memory_space<vmem>> -> memref<128x32xf32, #tpu.memory_space<vmem>>
        %dma_wait3A_76 = arith.constant 0 : i32
        %dma_wait3A_77 = tpu.memref_slice %arg6[%add3A_40, %dma_wait3A_76] : memref<40x128xi32, #tpu.memory_space<vmem>> -> memref<1x128xi32, #tpu.memory_space<vmem>>
        %dma_wait3A_78 = tpu.memref_squeeze %dma_wait3A_77 : memref<1x128xi32, #tpu.memory_space<vmem>> -> memref<128xi32, #tpu.memory_space<vmem>>
        %dma_wait3A_79 = arith.constant 0 : i32
        %dma_wait3A_80 = arith.constant 0 : i32
        %dma_wait3A_81 = tpu.memref_slice %arg8[%dma_wait3A_79, %dma_wait3A_80] : memref<10240x32xf32, #tpu.memory_space<vmem_shared>> -> memref<10240x32xf32, #tpu.memory_space<vmem_shared>>
        tpu.wait_indirect_dma semaphore(%run_scoped3A : memref<!tpu.dma_semaphore, #tpu.memory_space<semaphore_mem>>) src(%dma_wait3A_75 : memref<128x32xf32, #tpu.memory_space<vmem>>) dst(%dma_wait3A_81 : memref<10240x32xf32, #tpu.memory_space<vmem_shared>>)
        tpu.yield
      }) : () -> ()
      %mul3A_41 = arith.constant 10 : i32
      %mul3A_42 = arith.muli %scan3A_18, %mul3A_41 : i32
      %add3A_43 = arith.constant 4 : i32
      %add3A_44 = arith.addi %mul3A_42, %add3A_43 : i32
      "tpu.region"() ({
        %run_scoped3A = tpu.sem_alloc : memref<!tpu.dma_semaphore, #tpu.memory_space<semaphore_mem>>
        %dma_start3A = arith.constant 512 : i32
        %dma_start3A_66 = arith.constant 0 : i32
        %dma_start3A_67 = tpu.memref_slice %arg7[%dma_start3A, %dma_start3A_66] : memref<1280x32xf32, #tpu.memory_space<vmem>> -> memref<128x32xf32, #tpu.memory_space<vmem>>
        %dma_start3A_68 = arith.constant 0 : i32
        %dma_start3A_69 = tpu.memref_slice %arg6[%add3A_44, %dma_start3A_68] : memref<40x128xi32, #tpu.memory_space<vmem>> -> memref<1x128xi32, #tpu.memory_space<vmem>>
        %dma_start3A_70 = tpu.memref_squeeze %dma_start3A_69 : memref<1x128xi32, #tpu.memory_space<vmem>> -> memref<128xi32, #tpu.memory_space<vmem>>
        %dma_start3A_71 = arith.constant 0 : i32
        %dma_start3A_72 = arith.constant 0 : i32
        %dma_start3A_73 = tpu.memref_slice %arg8[%dma_start3A_71, %dma_start3A_72] : memref<10240x32xf32, #tpu.memory_space<vmem_shared>> -> memref<10240x32xf32, #tpu.memory_space<vmem_shared>>
        tpu.enqueue_indirect_dma source(%dma_start3A_67 : memref<128x32xf32, #tpu.memory_space<vmem>>) target(%dma_start3A_73 : memref<10240x32xf32, #tpu.memory_space<vmem_shared>>) offsets(%dma_start3A_70 : memref<128xi32, #tpu.memory_space<vmem>>) semaphore(%run_scoped3A : memref<!tpu.dma_semaphore, #tpu.memory_space<semaphore_mem>>) {add = true}
        %dma_wait3A = arith.constant 512 : i32
        %dma_wait3A_74 = arith.constant 0 : i32
        %dma_wait3A_75 = tpu.memref_slice %arg7[%dma_wait3A, %dma_wait3A_74] : memref<1280x32xf32, #tpu.memory_space<vmem>> -> memref<128x32xf32, #tpu.memory_space<vmem>>
        %dma_wait3A_76 = arith.constant 0 : i32
        %dma_wait3A_77 = tpu.memref_slice %arg6[%add3A_44, %dma_wait3A_76] : memref<40x128xi32, #tpu.memory_space<vmem>> -> memref<1x128xi32, #tpu.memory_space<vmem>>
        %dma_wait3A_78 = tpu.memref_squeeze %dma_wait3A_77 : memref<1x128xi32, #tpu.memory_space<vmem>> -> memref<128xi32, #tpu.memory_space<vmem>>
        %dma_wait3A_79 = arith.constant 0 : i32
        %dma_wait3A_80 = arith.constant 0 : i32
        %dma_wait3A_81 = tpu.memref_slice %arg8[%dma_wait3A_79, %dma_wait3A_80] : memref<10240x32xf32, #tpu.memory_space<vmem_shared>> -> memref<10240x32xf32, #tpu.memory_space<vmem_shared>>
        tpu.wait_indirect_dma semaphore(%run_scoped3A : memref<!tpu.dma_semaphore, #tpu.memory_space<semaphore_mem>>) src(%dma_wait3A_75 : memref<128x32xf32, #tpu.memory_space<vmem>>) dst(%dma_wait3A_81 : memref<10240x32xf32, #tpu.memory_space<vmem_shared>>)
        tpu.yield
      }) : () -> ()
      %mul3A_45 = arith.constant 10 : i32
      %mul3A_46 = arith.muli %scan3A_18, %mul3A_45 : i32
      %add3A_47 = arith.constant 5 : i32
      %add3A_48 = arith.addi %mul3A_46, %add3A_47 : i32
      "tpu.region"() ({
        %run_scoped3A = tpu.sem_alloc : memref<!tpu.dma_semaphore, #tpu.memory_space<semaphore_mem>>
        %dma_start3A = arith.constant 640 : i32
        %dma_start3A_66 = arith.constant 0 : i32
        %dma_start3A_67 = tpu.memref_slice %arg7[%dma_start3A, %dma_start3A_66] : memref<1280x32xf32, #tpu.memory_space<vmem>> -> memref<128x32xf32, #tpu.memory_space<vmem>>
        %dma_start3A_68 = arith.constant 0 : i32
        %dma_start3A_69 = tpu.memref_slice %arg6[%add3A_48, %dma_start3A_68] : memref<40x128xi32, #tpu.memory_space<vmem>> -> memref<1x128xi32, #tpu.memory_space<vmem>>
        %dma_start3A_70 = tpu.memref_squeeze %dma_start3A_69 : memref<1x128xi32, #tpu.memory_space<vmem>> -> memref<128xi32, #tpu.memory_space<vmem>>
        %dma_start3A_71 = arith.constant 0 : i32
        %dma_start3A_72 = arith.constant 0 : i32
        %dma_start3A_73 = tpu.memref_slice %arg8[%dma_start3A_71, %dma_start3A_72] : memref<10240x32xf32, #tpu.memory_space<vmem_shared>> -> memref<10240x32xf32, #tpu.memory_space<vmem_shared>>
        tpu.enqueue_indirect_dma source(%dma_start3A_67 : memref<128x32xf32, #tpu.memory_space<vmem>>) target(%dma_start3A_73 : memref<10240x32xf32, #tpu.memory_space<vmem_shared>>) offsets(%dma_start3A_70 : memref<128xi32, #tpu.memory_space<vmem>>) semaphore(%run_scoped3A : memref<!tpu.dma_semaphore, #tpu.memory_space<semaphore_mem>>) {add = true}
        %dma_wait3A = arith.constant 640 : i32
        %dma_wait3A_74 = arith.constant 0 : i32
        %dma_wait3A_75 = tpu.memref_slice %arg7[%dma_wait3A, %dma_wait3A_74] : memref<1280x32xf32, #tpu.memory_space<vmem>> -> memref<128x32xf32, #tpu.memory_space<vmem>>
        %dma_wait3A_76 = arith.constant 0 : i32
        %dma_wait3A_77 = tpu.memref_slice %arg6[%add3A_48, %dma_wait3A_76] : memref<40x128xi32, #tpu.memory_space<vmem>> -> memref<1x128xi32, #tpu.memory_space<vmem>>
        %dma_wait3A_78 = tpu.memref_squeeze %dma_wait3A_77 : memref<1x128xi32, #tpu.memory_space<vmem>> -> memref<128xi32, #tpu.memory_space<vmem>>
        %dma_wait3A_79 = arith.constant 0 : i32
        %dma_wait3A_80 = arith.constant 0 : i32
        %dma_wait3A_81 = tpu.memref_slice %arg8[%dma_wait3A_79, %dma_wait3A_80] : memref<10240x32xf32, #tpu.memory_space<vmem_shared>> -> memref<10240x32xf32, #tpu.memory_space<vmem_shared>>
        tpu.wait_indirect_dma semaphore(%run_scoped3A : memref<!tpu.dma_semaphore, #tpu.memory_space<semaphore_mem>>) src(%dma_wait3A_75 : memref<128x32xf32, #tpu.memory_space<vmem>>) dst(%dma_wait3A_81 : memref<10240x32xf32, #tpu.memory_space<vmem_shared>>)
        tpu.yield
      }) : () -> ()
      %mul3A_49 = arith.constant 10 : i32
      %mul3A_50 = arith.muli %scan3A_18, %mul3A_49 : i32
      %add3A_51 = arith.constant 6 : i32
      %add3A_52 = arith.addi %mul3A_50, %add3A_51 : i32
      "tpu.region"() ({
        %run_scoped3A = tpu.sem_alloc : memref<!tpu.dma_semaphore, #tpu.memory_space<semaphore_mem>>
        %dma_start3A = arith.constant 768 : i32
        %dma_start3A_66 = arith.constant 0 : i32
        %dma_start3A_67 = tpu.memref_slice %arg7[%dma_start3A, %dma_start3A_66] : memref<1280x32xf32, #tpu.memory_space<vmem>> -> memref<128x32xf32, #tpu.memory_space<vmem>>
        %dma_start3A_68 = arith.constant 0 : i32
        %dma_start3A_69 = tpu.memref_slice %arg6[%add3A_52, %dma_start3A_68] : memref<40x128xi32, #tpu.memory_space<vmem>> -> memref<1x128xi32, #tpu.memory_space<vmem>>
        %dma_start3A_70 = tpu.memref_squeeze %dma_start3A_69 : memref<1x128xi32, #tpu.memory_space<vmem>> -> memref<128xi32, #tpu.memory_space<vmem>>
        %dma_start3A_71 = arith.constant 0 : i32
        %dma_start3A_72 = arith.constant 0 : i32
        %dma_start3A_73 = tpu.memref_slice %arg8[%dma_start3A_71, %dma_start3A_72] : memref<10240x32xf32, #tpu.memory_space<vmem_shared>> -> memref<10240x32xf32, #tpu.memory_space<vmem_shared>>
        tpu.enqueue_indirect_dma source(%dma_start3A_67 : memref<128x32xf32, #tpu.memory_space<vmem>>) target(%dma_start3A_73 : memref<10240x32xf32, #tpu.memory_space<vmem_shared>>) offsets(%dma_start3A_70 : memref<128xi32, #tpu.memory_space<vmem>>) semaphore(%run_scoped3A : memref<!tpu.dma_semaphore, #tpu.memory_space<semaphore_mem>>) {add = true}
        %dma_wait3A = arith.constant 768 : i32
        %dma_wait3A_74 = arith.constant 0 : i32
        %dma_wait3A_75 = tpu.memref_slice %arg7[%dma_wait3A, %dma_wait3A_74] : memref<1280x32xf32, #tpu.memory_space<vmem>> -> memref<128x32xf32, #tpu.memory_space<vmem>>
        %dma_wait3A_76 = arith.constant 0 : i32
        %dma_wait3A_77 = tpu.memref_slice %arg6[%add3A_52, %dma_wait3A_76] : memref<40x128xi32, #tpu.memory_space<vmem>> -> memref<1x128xi32, #tpu.memory_space<vmem>>
        %dma_wait3A_78 = tpu.memref_squeeze %dma_wait3A_77 : memref<1x128xi32, #tpu.memory_space<vmem>> -> memref<128xi32, #tpu.memory_space<vmem>>
        %dma_wait3A_79 = arith.constant 0 : i32
        %dma_wait3A_80 = arith.constant 0 : i32
        %dma_wait3A_81 = tpu.memref_slice %arg8[%dma_wait3A_79, %dma_wait3A_80] : memref<10240x32xf32, #tpu.memory_space<vmem_shared>> -> memref<10240x32xf32, #tpu.memory_space<vmem_shared>>
        tpu.wait_indirect_dma semaphore(%run_scoped3A : memref<!tpu.dma_semaphore, #tpu.memory_space<semaphore_mem>>) src(%dma_wait3A_75 : memref<128x32xf32, #tpu.memory_space<vmem>>) dst(%dma_wait3A_81 : memref<10240x32xf32, #tpu.memory_space<vmem_shared>>)
        tpu.yield
      }) : () -> ()
      %mul3A_53 = arith.constant 10 : i32
      %mul3A_54 = arith.muli %scan3A_18, %mul3A_53 : i32
      %add3A_55 = arith.constant 7 : i32
      %add3A_56 = arith.addi %mul3A_54, %add3A_55 : i32
      "tpu.region"() ({
        %run_scoped3A = tpu.sem_alloc : memref<!tpu.dma_semaphore, #tpu.memory_space<semaphore_mem>>
        %dma_start3A = arith.constant 896 : i32
        %dma_start3A_66 = arith.constant 0 : i32
        %dma_start3A_67 = tpu.memref_slice %arg7[%dma_start3A, %dma_start3A_66] : memref<1280x32xf32, #tpu.memory_space<vmem>> -> memref<128x32xf32, #tpu.memory_space<vmem>>
        %dma_start3A_68 = arith.constant 0 : i32
        %dma_start3A_69 = tpu.memref_slice %arg6[%add3A_56, %dma_start3A_68] : memref<40x128xi32, #tpu.memory_space<vmem>> -> memref<1x128xi32, #tpu.memory_space<vmem>>
        %dma_start3A_70 = tpu.memref_squeeze %dma_start3A_69 : memref<1x128xi32, #tpu.memory_space<vmem>> -> memref<128xi32, #tpu.memory_space<vmem>>
        %dma_start3A_71 = arith.constant 0 : i32
        %dma_start3A_72 = arith.constant 0 : i32
        %dma_start3A_73 = tpu.memref_slice %arg8[%dma_start3A_71, %dma_start3A_72] : memref<10240x32xf32, #tpu.memory_space<vmem_shared>> -> memref<10240x32xf32, #tpu.memory_space<vmem_shared>>
        tpu.enqueue_indirect_dma source(%dma_start3A_67 : memref<128x32xf32, #tpu.memory_space<vmem>>) target(%dma_start3A_73 : memref<10240x32xf32, #tpu.memory_space<vmem_shared>>) offsets(%dma_start3A_70 : memref<128xi32, #tpu.memory_space<vmem>>) semaphore(%run_scoped3A : memref<!tpu.dma_semaphore, #tpu.memory_space<semaphore_mem>>) {add = true}
        %dma_wait3A = arith.constant 896 : i32
        %dma_wait3A_74 = arith.constant 0 : i32
        %dma_wait3A_75 = tpu.memref_slice %arg7[%dma_wait3A, %dma_wait3A_74] : memref<1280x32xf32, #tpu.memory_space<vmem>> -> memref<128x32xf32, #tpu.memory_space<vmem>>
        %dma_wait3A_76 = arith.constant 0 : i32
        %dma_wait3A_77 = tpu.memref_slice %arg6[%add3A_56, %dma_wait3A_76] : memref<40x128xi32, #tpu.memory_space<vmem>> -> memref<1x128xi32, #tpu.memory_space<vmem>>
        %dma_wait3A_78 = tpu.memref_squeeze %dma_wait3A_77 : memref<1x128xi32, #tpu.memory_space<vmem>> -> memref<128xi32, #tpu.memory_space<vmem>>
        %dma_wait3A_79 = arith.constant 0 : i32
        %dma_wait3A_80 = arith.constant 0 : i32
        %dma_wait3A_81 = tpu.memref_slice %arg8[%dma_wait3A_79, %dma_wait3A_80] : memref<10240x32xf32, #tpu.memory_space<vmem_shared>> -> memref<10240x32xf32, #tpu.memory_space<vmem_shared>>
        tpu.wait_indirect_dma semaphore(%run_scoped3A : memref<!tpu.dma_semaphore, #tpu.memory_space<semaphore_mem>>) src(%dma_wait3A_75 : memref<128x32xf32, #tpu.memory_space<vmem>>) dst(%dma_wait3A_81 : memref<10240x32xf32, #tpu.memory_space<vmem_shared>>)
        tpu.yield
      }) : () -> ()
      %mul3A_57 = arith.constant 10 : i32
      %mul3A_58 = arith.muli %scan3A_18, %mul3A_57 : i32
      %add3A_59 = arith.constant 8 : i32
      %add3A_60 = arith.addi %mul3A_58, %add3A_59 : i32
      "tpu.region"() ({
        %run_scoped3A = tpu.sem_alloc : memref<!tpu.dma_semaphore, #tpu.memory_space<semaphore_mem>>
        %dma_start3A = arith.constant 1024 : i32
        %dma_start3A_66 = arith.constant 0 : i32
        %dma_start3A_67 = tpu.memref_slice %arg7[%dma_start3A, %dma_start3A_66] : memref<1280x32xf32, #tpu.memory_space<vmem>> -> memref<128x32xf32, #tpu.memory_space<vmem>>
        %dma_start3A_68 = arith.constant 0 : i32
        %dma_start3A_69 = tpu.memref_slice %arg6[%add3A_60, %dma_start3A_68] : memref<40x128xi32, #tpu.memory_space<vmem>> -> memref<1x128xi32, #tpu.memory_space<vmem>>
        %dma_start3A_70 = tpu.memref_squeeze %dma_start3A_69 : memref<1x128xi32, #tpu.memory_space<vmem>> -> memref<128xi32, #tpu.memory_space<vmem>>
        %dma_start3A_71 = arith.constant 0 : i32
        %dma_start3A_72 = arith.constant 0 : i32
        %dma_start3A_73 = tpu.memref_slice %arg8[%dma_start3A_71, %dma_start3A_72] : memref<10240x32xf32, #tpu.memory_space<vmem_shared>> -> memref<10240x32xf32, #tpu.memory_space<vmem_shared>>
        tpu.enqueue_indirect_dma source(%dma_start3A_67 : memref<128x32xf32, #tpu.memory_space<vmem>>) target(%dma_start3A_73 : memref<10240x32xf32, #tpu.memory_space<vmem_shared>>) offsets(%dma_start3A_70 : memref<128xi32, #tpu.memory_space<vmem>>) semaphore(%run_scoped3A : memref<!tpu.dma_semaphore, #tpu.memory_space<semaphore_mem>>) {add = true}
        %dma_wait3A = arith.constant 1024 : i32
        %dma_wait3A_74 = arith.constant 0 : i32
        %dma_wait3A_75 = tpu.memref_slice %arg7[%dma_wait3A, %dma_wait3A_74] : memref<1280x32xf32, #tpu.memory_space<vmem>> -> memref<128x32xf32, #tpu.memory_space<vmem>>
        %dma_wait3A_76 = arith.constant 0 : i32
        %dma_wait3A_77 = tpu.memref_slice %arg6[%add3A_60, %dma_wait3A_76] : memref<40x128xi32, #tpu.memory_space<vmem>> -> memref<1x128xi32, #tpu.memory_space<vmem>>
        %dma_wait3A_78 = tpu.memref_squeeze %dma_wait3A_77 : memref<1x128xi32, #tpu.memory_space<vmem>> -> memref<128xi32, #tpu.memory_space<vmem>>
        %dma_wait3A_79 = arith.constant 0 : i32
        %dma_wait3A_80 = arith.constant 0 : i32
        %dma_wait3A_81 = tpu.memref_slice %arg8[%dma_wait3A_79, %dma_wait3A_80] : memref<10240x32xf32, #tpu.memory_space<vmem_shared>> -> memref<10240x32xf32, #tpu.memory_space<vmem_shared>>
        tpu.wait_indirect_dma semaphore(%run_scoped3A : memref<!tpu.dma_semaphore, #tpu.memory_space<semaphore_mem>>) src(%dma_wait3A_75 : memref<128x32xf32, #tpu.memory_space<vmem>>) dst(%dma_wait3A_81 : memref<10240x32xf32, #tpu.memory_space<vmem_shared>>)
        tpu.yield
      }) : () -> ()
      %mul3A_61 = arith.constant 10 : i32
      %mul3A_62 = arith.muli %scan3A_18, %mul3A_61 : i32
      %add3A_63 = arith.constant 9 : i32
      %add3A_64 = arith.addi %mul3A_62, %add3A_63 : i32
      "tpu.region"() ({
        %run_scoped3A = tpu.sem_alloc : memref<!tpu.dma_semaphore, #tpu.memory_space<semaphore_mem>>
        %dma_start3A = arith.constant 1152 : i32
        %dma_start3A_66 = arith.constant 0 : i32
        %dma_start3A_67 = tpu.memref_slice %arg7[%dma_start3A, %dma_start3A_66] : memref<1280x32xf32, #tpu.memory_space<vmem>> -> memref<128x32xf32, #tpu.memory_space<vmem>>
        %dma_start3A_68 = arith.constant 0 : i32
        %dma_start3A_69 = tpu.memref_slice %arg6[%add3A_64, %dma_start3A_68] : memref<40x128xi32, #tpu.memory_space<vmem>> -> memref<1x128xi32, #tpu.memory_space<vmem>>
        %dma_start3A_70 = tpu.memref_squeeze %dma_start3A_69 : memref<1x128xi32, #tpu.memory_space<vmem>> -> memref<128xi32, #tpu.memory_space<vmem>>
        %dma_start3A_71 = arith.constant 0 : i32
        %dma_start3A_72 = arith.constant 0 : i32
        %dma_start3A_73 = tpu.memref_slice %arg8[%dma_start3A_71, %dma_start3A_72] : memref<10240x32xf32, #tpu.memory_space<vmem_shared>> -> memref<10240x32xf32, #tpu.memory_space<vmem_shared>>
        tpu.enqueue_indirect_dma source(%dma_start3A_67 : memref<128x32xf32, #tpu.memory_space<vmem>>) target(%dma_start3A_73 : memref<10240x32xf32, #tpu.memory_space<vmem_shared>>) offsets(%dma_start3A_70 : memref<128xi32, #tpu.memory_space<vmem>>) semaphore(%run_scoped3A : memref<!tpu.dma_semaphore, #tpu.memory_space<semaphore_mem>>) {add = true}
        %dma_wait3A = arith.constant 1152 : i32
        %dma_wait3A_74 = arith.constant 0 : i32
        %dma_wait3A_75 = tpu.memref_slice %arg7[%dma_wait3A, %dma_wait3A_74] : memref<1280x32xf32, #tpu.memory_space<vmem>> -> memref<128x32xf32, #tpu.memory_space<vmem>>
        %dma_wait3A_76 = arith.constant 0 : i32
        %dma_wait3A_77 = tpu.memref_slice %arg6[%add3A_64, %dma_wait3A_76] : memref<40x128xi32, #tpu.memory_space<vmem>> -> memref<1x128xi32, #tpu.memory_space<vmem>>
        %dma_wait3A_78 = tpu.memref_squeeze %dma_wait3A_77 : memref<1x128xi32, #tpu.memory_space<vmem>> -> memref<128xi32, #tpu.memory_space<vmem>>
        %dma_wait3A_79 = arith.constant 0 : i32
        %dma_wait3A_80 = arith.constant 0 : i32
        %dma_wait3A_81 = tpu.memref_slice %arg8[%dma_wait3A_79, %dma_wait3A_80] : memref<10240x32xf32, #tpu.memory_space<vmem_shared>> -> memref<10240x32xf32, #tpu.memory_space<vmem_shared>>
        tpu.wait_indirect_dma semaphore(%run_scoped3A : memref<!tpu.dma_semaphore, #tpu.memory_space<semaphore_mem>>) src(%dma_wait3A_75 : memref<128x32xf32, #tpu.memory_space<vmem>>) dst(%dma_wait3A_81 : memref<10240x32xf32, #tpu.memory_space<vmem_shared>>)
        tpu.yield
      }) : () -> ()
      %scan3A_65 = arith.constant 0 : i32
      scf.yield %scan3A_65 : i32
    }
    %scan3A_12 = arith.constant 4 : i32
    %barrier3A_13 = arith.constant 0 : index
    tpu.barrier barrier_id(%barrier3A_13)
    %mul3A_14 = arith.constant 640 : i32
    %mul3A_15 = arith.muli %arg1, %mul3A_14 : i32
    %mul3A_16 = arith.constant 640 : i32
    %mul3A_17 = arith.muli %arg1, %mul3A_16 : i32
    "tpu.region"() ({
      %run_scoped3A = tpu.sem_alloc : memref<!tpu.dma_semaphore, #tpu.memory_space<semaphore_mem>>
      %dma_start3A = arith.constant 0 : i32
      %dma_start3A_18 = tpu.memref_slice %arg5[%arg0, %mul3A_17, %dma_start3A] : memref<2x10240x32xf32, #tpu.memory_space<hbm>> -> memref<1x640x32xf32, #tpu.memory_space<hbm>>
      %dma_start3A_19 = tpu.memref_squeeze %dma_start3A_18 : memref<1x640x32xf32, #tpu.memory_space<hbm>> -> memref<640x32xf32, #tpu.memory_space<hbm>>
      %dma_start3A_20 = arith.constant 0 : i32
      %dma_start3A_21 = tpu.memref_slice %arg8[%mul3A_15, %dma_start3A_20] : memref<10240x32xf32, #tpu.memory_space<vmem_shared>> -> memref<640x32xf32, #tpu.memory_space<vmem_shared>>
      tpu.enqueue_dma source(%dma_start3A_21 : memref<640x32xf32, #tpu.memory_space<vmem_shared>>) target(%dma_start3A_19 : memref<640x32xf32, #tpu.memory_space<hbm>>) target_semaphore(%run_scoped3A : memref<!tpu.dma_semaphore, #tpu.memory_space<semaphore_mem>>)
      %dma_wait3A = arith.constant 0 : i32
      %dma_wait3A_22 = tpu.memref_slice %arg5[%arg0, %mul3A_17, %dma_wait3A] : memref<2x10240x32xf32, #tpu.memory_space<hbm>> -> memref<1x640x32xf32, #tpu.memory_space<hbm>>
      %dma_wait3A_23 = tpu.memref_squeeze %dma_wait3A_22 : memref<1x640x32xf32, #tpu.memory_space<hbm>> -> memref<640x32xf32, #tpu.memory_space<hbm>>
      %dma_wait3A_24 = arith.constant 0 : i32
      %dma_wait3A_25 = tpu.memref_slice %arg8[%mul3A_15, %dma_wait3A_24] : memref<10240x32xf32, #tpu.memory_space<vmem_shared>> -> memref<640x32xf32, #tpu.memory_space<vmem_shared>>
      tpu.wait_dma2 semaphore(%run_scoped3A : memref<!tpu.dma_semaphore, #tpu.memory_space<semaphore_mem>>) src(%dma_wait3A_25 : memref<640x32xf32, #tpu.memory_space<vmem_shared>>) dst(%dma_wait3A_23 : memref<640x32xf32, #tpu.memory_space<hbm>>)
      tpu.yield
    }) : () -> ()
    return
  }
}

module attributes {stable_mosaic.version = 14 : i64} {
  func.func @_mvw_body(%arg0: i32, %arg1: memref<16x4096xf32, #tpu.memory_space<vmem>>, %arg2: memref<32x4096xf32, #tpu.memory_space<vmem>>, %arg3: memref<128x16xf32, #tpu.memory_space<vmem>>, %arg4: memref<128x1xf32, #tpu.memory_space<vmem>>, %arg5: memref<1024x128xbf16, #tpu.memory_space<vmem>>, %arg6: memref<32x32xf32, #tpu.memory_space<vmem>>, %arg7: memref<32x1024xbf16, #tpu.memory_space<vmem>>, %arg8: memref<1024x128xf32, #tpu.memory_space<vmem>>) attributes {dimension_semantics = [#tpu.dimension_semantics<parallel>], iteration_bounds = array<i64: 40>, scalar_prefetch = 0 : i64, scratch_operands = 0 : i64, tpu.core_type = #tpu.core_type<tc>, window_params = [{transform_indices = @transform_0, window_bounds = array<i64: 16, 4096>}, {transform_indices = @transform_1, window_bounds = array<i64: 32, 4096>}, {pipeline_mode = #tpu.pipeline_mode<synchronous>, transform_indices = @transform_2, window_bounds = array<i64: 128, 16>}, {pipeline_mode = #tpu.pipeline_mode<synchronous>, transform_indices = @transform_3, window_bounds = array<i64: 128, 1>}, {pipeline_mode = #tpu.pipeline_mode<synchronous>, transform_indices = @transform_4, window_bounds = array<i64: 1024, 128>}, {pipeline_mode = #tpu.pipeline_mode<synchronous>, transform_indices = @transform_5, window_bounds = array<i64: 32, 32>}, {pipeline_mode = #tpu.pipeline_mode<synchronous>, transform_indices = @transform_6, window_bounds = array<i64: 32, 1024>}, {transform_indices = @transform_7, window_bounds = array<i64: 1024, 128>}]} {
    %get3A = arith.constant 0 : index
    %get3A_0 = arith.constant 0 : index
    %get3A_1 = vector.load %arg2[%get3A, %get3A_0] : memref<32x4096xf32, #tpu.memory_space<vmem>>, vector<32x4096xf32>
    %get3A_2 = arith.constant 0 : index
    %get3A_3 = arith.constant 0 : index
    %get3A_4 = vector.load %arg3[%get3A_2, %get3A_3] : memref<128x16xf32, #tpu.memory_space<vmem>>, vector<128x16xf32>
    %get3A_5 = arith.constant 0 : index
    %get3A_6 = arith.constant 0 : index
    %get3A_7 = vector.load %arg1[%get3A_5, %get3A_6] : memref<16x4096xf32, #tpu.memory_space<vmem>>, vector<16x4096xf32>
    %dot_general3A = arith.constant dense<0.000000e+00> : vector<128x4096xf32>
    %dot_general3A_8 = tpu.matmul %get3A_4, %get3A_7, %dot_general3A {dimension_numbers = #tpu.dot_dimension_numbers<[1], [0], [0], [1], [0, 0, 1, 1], [], []>, transpose_lhs_hint = false} : vector<128x16xf32>, vector<16x4096xf32>, vector<128x4096xf32> -> vector<128x4096xf32>
    %get3A_9 = arith.constant 0 : index
    %get3A_10 = arith.constant 0 : index
    %get3A_11 = vector.load %arg4[%get3A_9, %get3A_10] : memref<128x1xf32, #tpu.memory_space<vmem>>, vector<128x1xf32>
    %add3A = vector.broadcast %get3A_11 : vector<128x1xf32> to vector<128x4096xf32>
    %add3A_12 = arith.addf %dot_general3A_8, %add3A : vector<128x4096xf32>
    %max3A = arith.constant 0.000000e+00 : f32
    %max3A_13 = vector.broadcast %max3A : f32 to vector<128x4096xf32>
    %max3A_14 = arith.maximumf %add3A_12, %max3A_13 : vector<128x4096xf32>
    %get3A_15 = arith.constant 0 : index
    %get3A_16 = arith.constant 0 : index
    %get3A_17 = vector.load %arg5[%get3A_15, %get3A_16] : memref<1024x128xbf16, #tpu.memory_space<vmem>>, vector<1024x128xbf16>
    %convert_element_type3A = arith.truncf %max3A_14 : vector<128x4096xf32> to vector<128x4096xbf16>
    %dot_general3A_18 = arith.constant dense<0.000000e+00> : vector<1024x4096xf32>
    %dot_general3A_19 = tpu.matmul %get3A_17, %convert_element_type3A, %dot_general3A_18 {dimension_numbers = #tpu.dot_dimension_numbers<[1], [0], [0], [1], [0, 0, 1, 1], [], []>, transpose_lhs_hint = false} : vector<1024x128xbf16>, vector<128x4096xbf16>, vector<1024x4096xf32> -> vector<1024x4096xf32>
    %convert_element_type3A_20 = arith.truncf %dot_general3A_19 : vector<1024x4096xf32> to vector<1024x4096xbf16>
    %convert_element_type3A_21 = arith.truncf %get3A_1 : vector<32x4096xf32> to vector<32x4096xbf16>
    %tile3A = tpu.concatenate %convert_element_type3A_21, %convert_element_type3A_21, %convert_element_type3A_21, %convert_element_type3A_21, %convert_element_type3A_21, %convert_element_type3A_21, %convert_element_type3A_21, %convert_element_type3A_21, %convert_element_type3A_21, %convert_element_type3A_21, %convert_element_type3A_21, %convert_element_type3A_21, %convert_element_type3A_21, %convert_element_type3A_21, %convert_element_type3A_21, %convert_element_type3A_21, %convert_element_type3A_21, %convert_element_type3A_21, %convert_element_type3A_21, %convert_element_type3A_21, %convert_element_type3A_21, %convert_element_type3A_21, %convert_element_type3A_21, %convert_element_type3A_21, %convert_element_type3A_21, %convert_element_type3A_21, %convert_element_type3A_21, %convert_element_type3A_21, %convert_element_type3A_21, %convert_element_type3A_21, %convert_element_type3A_21, %convert_element_type3A_21 in 0 : vector<32x4096xbf16>, vector<32x4096xbf16>, vector<32x4096xbf16>, vector<32x4096xbf16>, vector<32x4096xbf16>, vector<32x4096xbf16>, vector<32x4096xbf16>, vector<32x4096xbf16>, vector<32x4096xbf16>, vector<32x4096xbf16>, vector<32x4096xbf16>, vector<32x4096xbf16>, vector<32x4096xbf16>, vector<32x4096xbf16>, vector<32x4096xbf16>, vector<32x4096xbf16>, vector<32x4096xbf16>, vector<32x4096xbf16>, vector<32x4096xbf16>, vector<32x4096xbf16>, vector<32x4096xbf16>, vector<32x4096xbf16>, vector<32x4096xbf16>, vector<32x4096xbf16>, vector<32x4096xbf16>, vector<32x4096xbf16>, vector<32x4096xbf16>, vector<32x4096xbf16>, vector<32x4096xbf16>, vector<32x4096xbf16>, vector<32x4096xbf16>, vector<32x4096xbf16> -> vector<1024x4096xbf16>
    %mul3A = arith.mulf %convert_element_type3A_20, %tile3A : vector<1024x4096xbf16>
    %get3A_22 = arith.constant 0 : index
    %get3A_23 = arith.constant 0 : index
    %get3A_24 = vector.load %arg7[%get3A_22, %get3A_23] : memref<32x1024xbf16, #tpu.memory_space<vmem>>, vector<32x1024xbf16>
    %dot_general3A_25 = arith.constant dense<0.000000e+00> : vector<32x4096xf32>
    %dot_general3A_26 = tpu.matmul %get3A_24, %mul3A, %dot_general3A_25 {dimension_numbers = #tpu.dot_dimension_numbers<[1], [0], [0], [1], [0, 0, 1, 1], [], []>, transpose_lhs_hint = false} : vector<32x1024xbf16>, vector<1024x4096xbf16>, vector<32x4096xf32> -> vector<32x4096xf32>
    %get3A_27 = arith.constant 0 : index
    %get3A_28 = arith.constant 0 : index
    %get3A_29 = vector.load %arg6[%get3A_27, %get3A_28] : memref<32x32xf32, #tpu.memory_space<vmem>>, vector<32x32xf32>
    %dot_general3A_30 = arith.constant dense<0.000000e+00> : vector<32x4096xf32>
    %dot_general3A_31 = tpu.matmul %get3A_29, %get3A_1, %dot_general3A_30 {dimension_numbers = #tpu.dot_dimension_numbers<[1], [0], [0], [1], [0, 0, 1, 1], [], []>, transpose_lhs_hint = false} : vector<32x32xf32>, vector<32x4096xf32>, vector<32x4096xf32> -> vector<32x4096xf32>
    %add3A_32 = arith.addf %dot_general3A_26, %dot_general3A_31 : vector<32x4096xf32>
    %slice3A = vector.extract_strided_slice %add3A_32 {offsets = [0, 0], sizes = [32, 1024], strides = [1, 1]} : vector<32x4096xf32> to vector<32x1024xf32>
    %transpose3A = tpu.transpose %slice3A, [1, 0] : vector<32x1024xf32> -> vector<1024x32xf32>
    %swap3A = arith.constant 0 : index
    %swap3A_33 = arith.constant 0 : index
    %swap3A_34 = vector.load %arg8[%swap3A, %swap3A_33] : memref<1024x128xf32, #tpu.memory_space<vmem>>, vector<1024x32xf32>
    tpu.vector_store %arg8[%swap3A, %swap3A_33], %transpose3A {strides = array<i32>} : memref<1024x128xf32, #tpu.memory_space<vmem>>, vector<1024x32xf32>,
    %slice3A_35 = vector.extract_strided_slice %add3A_32 {offsets = [0, 1024], sizes = [32, 1024], strides = [1, 1]} : vector<32x4096xf32> to vector<32x1024xf32>
    %transpose3A_36 = tpu.transpose %slice3A_35, [1, 0] : vector<32x1024xf32> -> vector<1024x32xf32>
    %swap3A_37 = arith.constant 0 : index
    %swap3A_38 = arith.constant 32 : index
    %swap3A_39 = vector.load %arg8[%swap3A_37, %swap3A_38] : memref<1024x128xf32, #tpu.memory_space<vmem>>, vector<1024x32xf32>
    tpu.vector_store %arg8[%swap3A_37, %swap3A_38], %transpose3A_36 {strides = array<i32>} : memref<1024x128xf32, #tpu.memory_space<vmem>>, vector<1024x32xf32>,
    %slice3A_40 = vector.extract_strided_slice %add3A_32 {offsets = [0, 2048], sizes = [32, 1024], strides = [1, 1]} : vector<32x4096xf32> to vector<32x1024xf32>
    %transpose3A_41 = tpu.transpose %slice3A_40, [1, 0] : vector<32x1024xf32> -> vector<1024x32xf32>
    %swap3A_42 = arith.constant 0 : index
    %swap3A_43 = arith.constant 64 : index
    %swap3A_44 = vector.load %arg8[%swap3A_42, %swap3A_43] : memref<1024x128xf32, #tpu.memory_space<vmem>>, vector<1024x32xf32>
    tpu.vector_store %arg8[%swap3A_42, %swap3A_43], %transpose3A_41 {strides = array<i32>} : memref<1024x128xf32, #tpu.memory_space<vmem>>, vector<1024x32xf32>,
    %slice3A_45 = vector.extract_strided_slice %add3A_32 {offsets = [0, 3072], sizes = [32, 1024], strides = [1, 1]} : vector<32x4096xf32> to vector<32x1024xf32>
    %transpose3A_46 = tpu.transpose %slice3A_45, [1, 0] : vector<32x1024xf32> -> vector<1024x32xf32>
    %swap3A_47 = arith.constant 0 : index
    %swap3A_48 = arith.constant 96 : index
    %swap3A_49 = vector.load %arg8[%swap3A_47, %swap3A_48] : memref<1024x128xf32, #tpu.memory_space<vmem>>, vector<1024x32xf32>
    tpu.vector_store %arg8[%swap3A_47, %swap3A_48], %transpose3A_46 {strides = array<i32>} : memref<1024x128xf32, #tpu.memory_space<vmem>>, vector<1024x32xf32>,
    return
  }
  func.func @transform_0(%arg0: i32) -> (i32, i32) {
    %c0_i32 = arith.constant 0 : i32
    %c0_i32_0 = arith.constant 0 : i32
    return %c0_i32, %arg0 : i32, i32
  }
  func.func @transform_1(%arg0: i32) -> (i32, i32) {
    %c0_i32 = arith.constant 0 : i32
    %c0_i32_0 = arith.constant 0 : i32
    return %c0_i32, %arg0 : i32, i32
  }
  func.func @transform_2(%arg0: i32) -> (i32, i32) {
    %c0_i32 = arith.constant 0 : i32
    %c0_i32_0 = arith.constant 0 : i32
    %c0_i32_1 = arith.constant 0 : i32
    return %c0_i32, %c0_i32_0 : i32, i32
  }
  func.func @transform_3(%arg0: i32) -> (i32, i32) {
    %c0_i32 = arith.constant 0 : i32
    %c0_i32_0 = arith.constant 0 : i32
    %c0_i32_1 = arith.constant 0 : i32
    return %c0_i32, %c0_i32_0 : i32, i32
  }
  func.func @transform_4(%arg0: i32) -> (i32, i32) {
    %c0_i32 = arith.constant 0 : i32
    %c0_i32_0 = arith.constant 0 : i32
    %c0_i32_1 = arith.constant 0 : i32
    return %c0_i32, %c0_i32_0 : i32, i32
  }
  func.func @transform_5(%arg0: i32) -> (i32, i32) {
    %c0_i32 = arith.constant 0 : i32
    %c0_i32_0 = arith.constant 0 : i32
    %c0_i32_1 = arith.constant 0 : i32
    return %c0_i32, %c0_i32_0 : i32, i32
  }
  func.func @transform_6(%arg0: i32) -> (i32, i32) {
    %c0_i32 = arith.constant 0 : i32
    %c0_i32_0 = arith.constant 0 : i32
    %c0_i32_1 = arith.constant 0 : i32
    return %c0_i32, %c0_i32_0 : i32, i32
  }
  func.func @transform_7(%arg0: i32) -> (i32, i32) {
    %c0_i32 = arith.constant 0 : i32
    %c0_i32_0 = arith.constant 0 : i32
    return %arg0, %c0_i32 : i32, i32
  }
}

module attributes {stable_mosaic.version = 14 : i64} {
  func.func @_combine_body(%arg0: memref<2x10240x32xf32, #tpu.memory_space<vmem>>, %arg1: memref<10240x32xf32, #tpu.memory_space<vmem>>) attributes {dimension_semantics = [], scalar_prefetch = 0 : i64, scratch_operands = 0 : i64, tpu.core_type = #tpu.core_type<tc>} {
    %get3A = arith.constant 0 : index
    %get3A_0 = arith.constant 0 : index
    %get3A_1 = arith.constant 0 : index
    %get3A_2 = vector.load %arg0[%get3A, %get3A_0, %get3A_1] : memref<2x10240x32xf32, #tpu.memory_space<vmem>>, vector<1x10240x32xf32>
    %get3A_3 = vector.shape_cast %get3A_2 : vector<1x10240x32xf32> to vector<10240x32xf32>
    %get3A_4 = arith.constant 1 : index
    %get3A_5 = arith.constant 0 : index
    %get3A_6 = arith.constant 0 : index
    %get3A_7 = vector.load %arg0[%get3A_4, %get3A_5, %get3A_6] : memref<2x10240x32xf32, #tpu.memory_space<vmem>>, vector<1x10240x32xf32>
    %get3A_8 = vector.shape_cast %get3A_7 : vector<1x10240x32xf32> to vector<10240x32xf32>
    %add3A = arith.addf %get3A_3, %get3A_8 : vector<10240x32xf32>
    %swap3A = arith.constant 0 : index
    %swap3A_9 = arith.constant 0 : index
    %swap3A_10 = vector.load %arg1[%swap3A, %swap3A_9] : memref<10240x32xf32, #tpu.memory_space<vmem>>, vector<10240x32xf32>
    tpu.vector_store %arg1[%swap3A, %swap3A_9], %add3A {strides = array<i32>} : memref<10240x32xf32, #tpu.memory_space<vmem>>, vector<10240x32xf32>,
    return
  }
}

</mosaic_0001>

<sc_bundles>
// kernel: kernel.5.cloned.1.call-start
scs
__scs_entry_jumppad:
0x0: {  	(pc) =	sbr.rel $0x88, $3  }
0x1: {  	(tag) =	ssettag $0x0;
	lr =	simm.s32 $0x1  }
0x2: {  	[smem:$0x3F9A] =	sst lr;
	_ =	strace $0xD0000000  }
0x3: {  	_ = 	snop  }
0x4: {  	_ = 	snop  }
0x5: {  	_ = 	snop  }
0x6: {  	_ = 	snop  }
0x7: {  	_ = 	snop  }
__scs_overlays_trampoline_lowered:
0x8: {  	[smem:$0x3FA9] =	sst s0  }
0x9: {  	[smem:$0x3FAA] =	sst s1  }
0xa: {  	[smem:$0x3FAB] =	sst s2  }
0xb: {  	[smem:$0x3FAC] =	sst s3  }
0xc: {  	[smem:$0x3FAD] =	sst s4  }
0xd: {  	[smem:$0x3FAE] =	sst s5  }
0xe: {  	[smem:$0x3FAF] =	sst s6  }
0xf: {  	[smem:$0x3FB0] =	sst s7  }
0x10: {  	[smem:$0x3FB1] =	sst s8  }
0x11: {  	[smem:$0x3FB2] =	sst s9;
	s0 =	simm.s32 @!p0 $0x0  }
0x12: {  	s1 =	sld [smem:$0x3F98];
	s0 =	simm.s32 @p0 $0x1  }
0x13: {  	[smem:$0x3FB3] =	sst s0;
	s0 =	simm.s32 @!p1 $0x0  }
0x14: {  	s2 =	sld [smem:$0x3F97];
	s0 =	simm.s32 @p1 $0x1  }
0x15: {  	[smem:$0x3FB4] =	sst s0;
	s0 =	simm.s32 @!p2 $0x0  }
0x16: {  	s3 =	sld [smem:$0x3FDB];
	s0 =	simm.s32 @p2 $0x1  }
0x17: {  	s4 =	simm.s32 $0x1BF5;
	[smem:$0x3FB6] =	sst s0  }
0x18: {  	s0 =	sld [smem:$0x3F99];
	_ =	swait.ge [sflag:s4], $0x0  }
0x19: {  	s7 =	sld [smem:$0x3F9A]  }
0x1a: {  	s8 =	sadd.s32 $0xFFFFE003, lr  }
0x1b: {  	s9 =	sadd.s32 $0xFFFFFEF7, lr;
	s5 =	simm.s32 $0xFFFFFFFF;
	p2 =	slt.u32 s8, $0xFFFFF086  }
0x1c: {  	p1 =	slt.u32 s9, $0xF7A;
	s5 =	simm.s32 @!p2 $0x0  }
0x1d: {  	s5 =	simm.s32 @p1 $0x1;
	p0 =	seq.s32 s7, s2  }
0x1e: {  	s7 =	smul.u32 @!p0 $0xF7A, s2;
	p2 =	seq.s32 @!p0 s5, $0x0  }
0x1f: {  	s9 =	smul.u32 $0xF7A, s1;
	s8 =	simm.s32 @!p0 $0x1BF5;
	p2 =	por !p2, p0  }
0x20: {  	[sflag:s8] =	ssyncset.s32 @!p0 $0xFFFFF086;
	s6 =	sadd.s32 @!p0 s3, s7;
	s7 =	simm.s32 @!p0 $0x108  }
0x21: {  	s3 =	sadd.s32 s3, s9;
	s6 =	sadd.s32 @!p0 $0x88, s6;
	s7 =	simm.s32 @p2 $0x1082  }
0x22: {  	[simem:s7], [sflag:s8] =	dma.local @!p0 [hbm:s6], $0xF7A  }
0x23: {  	s9 =	sor.u32 $0xD0000000, s2;
	s6 =	simm.s32 $0x108;
	_ =	swait.ge @!p0 [sflag:s8], $0x0  }
0x24: {  	s3 =	sadd.s32 $0x88, s3;
	s6 =	simm.s32 @!p1 $0x1082;
	[sflag:s4] =	ssyncset.s32 $0xFFFFF086  }
0x25: {  	[simem:s6], [sflag:s4] =	dma.local [hbm:s3], $0xF7A  }
0x26: {  	[smem:$0x3F9A] =	sst s1;
	(tag) =	ssettag s2;
	_ =	strace s9  }
0x27: {  	s1 =	sld [smem:$0x3FAA]  }
0x28: {  	s2 =	sld [smem:$0x3FAB]  }
0x29: {  	s4 =	sld [smem:$0x3FAD]  }
0x2a: {  	p0 =	seq.s32 s5, $0x0;
	s5 =	sld [smem:$0x3FAE]  }
0x2b: {  	s6 =	sld [smem:$0x3FAF]  }
0x2c: {  	s7 =	sld [smem:$0x3FB0]  }
0x2d: {  	s3 =	simm.s32 $0x108;
	s8 =	sld [smem:$0x3FB1]  }
0x2e: {  	s3 =	simm.s32 @!p0 $0x1082;
	s9 =	sld [smem:$0x3FB2]  }
0x2f: {  	lr =	sadd.s32 s0, s3;
	s0 =	sld [smem:$0x3FA9]  }
0x30: {  	s3 =	sld [smem:$0x3FAC]  }
0x31: {  	[smem:$0x3FB5] =	sst s10  }
0x32: {  	s10 =	sld [smem:$0x3FB3];
	_ =	sdelay $0x3  }
0x33: {  	p0 =	seq.s32 s10, $0x1;
	s10 =	sld [smem:$0x3FB5];
	_ =	sdelay $0x3  }
0x34: {  	[smem:$0x3FB5] =	sst s10  }
0x35: {  	s10 =	sld [smem:$0x3FB4];
	_ =	sdelay $0x3  }
0x36: {  	p1 =	seq.s32 s10, $0x1;
	s10 =	sld [smem:$0x3FB5];
	_ =	sdelay $0x3  }
0x37: {  	[smem:$0x3FB5] =	sst s10  }
0x38: {  	s10 =	sld [smem:$0x3FB6]  }
0x39: {  	_ = 	snop;
	(pc) =	sbr.ind lr, $3  }
0x3a: {  	_ = 	snop  }
0x3b: {  	_ = 	snop  }
0x3c: {  	p2 =	seq.s32 s10, $0x1;
	s10 =	sld [smem:$0x3FB5]  }
0x3d: {  	_ =	shalt  }
0x3e: {  	_ =	shalt  }
0x3f: {  	_ =	shalt  }
0x40: {  	_ =	shalt  }
0x41: {  	_ =	shalt  }
0x42: {  	_ =	shalt  }
0x43: {  	_ =	shalt  }
0x44: {  	_ =	shalt  }
0x45: {  	_ =	shalt  }
0x46: {  	_ =	shalt  }
0x47: {  	_ =	shalt  }
0x48: {  	_ =	shalt  }
0x49: {  	_ =	shalt  }
0x4a: {  	_ =	shalt  }
0x4b: {  	_ =	shalt  }
0x4c: {  	_ =	shalt  }
0x4d: {  	_ =	shalt  }
0x4e: {  	_ =	shalt  }
0x4f: {  	_ =	shalt  }
0x50: {  	_ =	shalt  }
0x51: {  	_ =	shalt  }
0x52: {  	_ =	shalt  }
0x53: {  	_ =	shalt  }
0x54: {  	_ =	shalt  }
0x55: {  	_ =	shalt  }
0x56: {  	_ =	shalt  }
0x57: {  	_ =	shalt  }
0x58: {  	_ =	shalt  }
0x59: {  	_ =	shalt  }
0x5a: {  	_ =	shalt  }
0x5b: {  	_ =	shalt  }
0x5c: {  	_ =	shalt  }
0x5d: {  	_ =	shalt  }
0x5e: {  	_ =	shalt  }
0x5f: {  	_ =	shalt  }
0x60: {  	_ =	shalt  }
0x61: {  	_ =	shalt  }
0x62: {  	_ =	shalt  }
0x63: {  	_ =	shalt  }
0x64: {  	_ =	shalt  }
0x65: {  	_ =	shalt  }
0x66: {  	_ =	shalt  }
0x67: {  	_ =	shalt  }
0x68: {  	_ =	shalt  }
0x69: {  	_ =	shalt  }
0x6a: {  	_ =	shalt  }
0x6b: {  	_ =	shalt  }
0x6c: {  	_ =	shalt  }
0x6d: {  	_ =	shalt  }
0x6e: {  	_ =	shalt  }
0x6f: {  	_ =	shalt  }
0x70: {  	_ =	shalt  }
0x71: {  	_ =	shalt  }
0x72: {  	_ =	shalt  }
0x73: {  	_ =	shalt  }
0x74: {  	_ =	shalt  }
0x75: {  	_ =	shalt  }
0x76: {  	_ =	shalt  }
0x77: {  	_ =	shalt  }
0x78: {  	_ =	shalt  }
0x79: {  	_ =	shalt  }
0x7a: {  	_ =	shalt  }
0x7b: {  	_ =	shalt  }
0x7c: {  	_ =	shalt  }
0x7d: {  	_ =	shalt  }
0x7e: {  	_ =	shalt  }
0x7f: {  	_ =	shalt  }
0x80: {  	_ =	shalt  }
0x81: {  	_ =	shalt  }
0x82: {  	_ =	shalt  }
0x83: {  	_ =	shalt  }
0x84: {  	_ =	shalt  }
0x85: {  	_ =	shalt  }
0x86: {  	_ =	shalt  }
0x87: {  	_ =	shalt  }
.Lfunc_end0:
.L_simem_size_0:
called_computation_lowered:
.L_overlay_start_0:
0x88: {  	s2 =	sld [smem:$0x3FD9]  }
0x89: {  	s3 =	sld [smem:$0x3FFE];
	_ =	sdelay $0x1  }
0x8a: {  	s1 =	srdreg.scid  }
0x8b: {  	s0 =	sand.u32 $0x1, s1  }
0x8c: {  	s17 =	sshll.u32 s0, $0xA;
	s2 =	sadd.s32 s3, s2  }
0x8d: {  	s2 =	sadd.s32 s2, s17  }
0x8e: {  	[smem:$0x3FC1] =	sst s2  }
0x8f: {  	_ = 	snop  }
0x90: {  	s2 =	sld [smem:$0x3FD0];
	(tm) =	ssettm $0x1  }
0x91: {  	s18 =	sld [smem:$0x3FFB];
	_ =	sdelay $0x3  }
0x92: {  	_ =	strace s18  }
0x93: {  	s3 =	sld [smem:$0x3FFC];
	_ =	sdelay $0x3  }
0x94: {  	_ =	strace s3  }
0x95: {  	s3 =	sld [smem:$0x3FFD];
	_ =	sdelay $0x3  }
0x96: {  	_ =	strace s3  }
0x97: {  	_ =	strace $0x8FFFFFFF  }
0x98: {  	s19 =	sld [smem:$0x3FDB];
	_ =	sdelay $0x1  }
0x99: {  	s4 =	simm.s32 $_scs_section_size  }
0x9a: {  	s5 =	simm.s32 $_size__tile_overlayer_lowered;
	s6 =	simm.s32 $_tile_overlayer_lowered  }
0x9b: {  	s22 =	simm.s32 $0x1BFF;
	s21 =	sshll.u32 s6, $0x1;
	s3 =	sadd.s32 s4, s19  }
0x9c: {  	s7 =	simm.s32 $0x0;
	s20 =	sshll.u32 s5, $0x1;
	s5 =	sadd.s32 s21, s3  }
0x9d: {  	[timem:s7], [sflag:s22] =	dma.local [hbm:s5], s20  }
0x9e: {  	_ =	swait.ge [sflag:s22], s20  }
0x9f: {  	s4 =	ssub.s32 $0x0, s20;
	[sflag:s22] =	ssyncset.done $0x0  }
0xa0: {  	[sflag:s22] =	ssyncadd.s32 s4;
	_ =	sdelay $0x1  }
0xa1: {  	s23 =	simm.s32 $0x1B8B  }
0xa2: {  	_ =	swait.ge [sflag:s23], $0x1  }
0xa3: {  	[sflag:s23] =	ssyncset.done $0x0  }
0xa4: {  	s25 =	simm.s32 $0x1B8E;
	s24 =	sld [smem:$0x3FFE];
	[sflag:s23] =	ssyncadd.s32 $0xFFFFFFFF  }
0xa5: {  	s26 =	simm.s32 $execute0_lowered;
	[smem:$0x3FD2] =	sst s25  }
0xa6: {  	s5 =	sshll.u32 s26, $0x1;
	_ =	strace $0x80000046;
	[dreg:$0x1] =	wrdreg $0xFFFFFFFF  }
0xa7: {  	s28 =	simm.s32 $_size_execute0_lowered;
	s3 =	sadd.s32 s3, s5;
	[dreg:$0x0] =	wrdreg $0x0  }
0xa8: {  	s5 =	sshll.u32 s28, $0x1;
	[dreg:$0x2] =	wrdreg s3  }
0xa9: {  	[dreg:$0x3] =	wrdreg s5  }
0xaa: {  	[dreg:$0x4] =	wrdreg $0xC0  }
0xab: {  	_ =	task [dreg:s7], $0x5FFFF  }
0xac: {  	[dreg:$0x1] =	wrdreg $0xFFFFFFFF  }
0xad: {  	[dreg:$0x0] =	wrdreg $0x60  }
0xae: {  	[dreg:$0x2] =	wrdreg s24  }
0xaf: {  	[dreg:$0x3] =	wrdreg s2  }
0xb0: {  	[dreg:$0x4] =	wrdreg $0xB4000  }
0xb1: {  	[dreg:$0x5] =	wrdreg $0x9  }
0xb2: {  	_ =	task.clear_ibuf [dreg:s7], $0x6FFFF;
	_ =	strace $0x90000046  }
0xb3: {  	s29 =	simm.s32 $0x9;
	_ =	strace $0x80000048  }
0xb4: {  	_ =	swait.ge [sflag:s29], $0x1  }
0xb5: {  	[sflag:s29] =	ssyncadd.s32 $0xFFFFFFFF  }
0xb6: {  	_ =	strace $0x90000048  }
0xb7: {  	_ =	sfence  }
0xb8: {  	s30 =	sld [smem:$0x0];
	_ =	sdelay $0x2  }
0xb9: {  	s31 =	sshll.u32 s1, $0xD;
	s1 =	sshrl.u32 s1, $0x2  }
0xba: {  	s3 =	sand.u32 $0x4000, s31;
	s1 =	sadd.s32 s1, s30  }
0xbb: {  	s0 =	sor.u32 s3, s0;
	s1 =	sshll.u32 s1, $0x11  }
0xbc: {  	s0 =	sor.u32 s1, s0  }
0xbd: {  	s0 =	sadd.s32 $0x8F2B, s0  }
0xbe: {  	[sflag:s0] =	ssyncadd.remote.s32 $0x1  }
0xbf: {  	_ =	sfence.sel $0xFFFF  }
0xc0: {  	[dreg:$0x0] =	wrdreg $0xFFFFFFFF;
	(pc) =	sbr.abs _section_cstart, $3  }
0xc1: {  	[dreg:$0x1] =	wrdreg $0xFFFFFFFF  }
0xc2: {  	_ =	task.clear_ibuf [dreg:s7], $0x2FFFF;
	_ =	strace $0x9FFFFFFF  }
0xc3: {  	(tm) =	ssettm $0x7FFFFFFF  }
tec
execute0_lowered:
.L_overlay_start_1:
0x0: {  	(tag) =	ssettag $0x1  }
0x1: {  	s4 =	rddreg [dreg:$0x0]  }
0x2: {  	s6 =	rddreg [dreg:$0x1]  }
0x3: {  	s2 =	rddreg [dreg:$0x2]  }
0x4: {  	s0 =	rddreg [dreg:$0x3]  }
0x5: {  	s1 =	stileid.u32;
	s7 =	srdreg.scid;
	s3 =	simm.s32 $0x0  }
0x6: {  	s15 =	simm.s32 $0x3400;
	s16 =	simm.s32 $0x4400;
	s17 =	simm.s32 $0x5400  }
0x7: {  	s18 =	simm.s32 $0x6400;
	s19 =	simm.s32 $0x7400;
	s20 =	simm.s32 $0x8400  }
0x8: {  	s21 =	simm.s32 $0x9400;
	s22 =	simm.s32 $0xA400;
	s5 =	smul.u32 $0x5000, s1  }
0x9: {  	s23 =	simm.s32 $0x0;
	s8 =	smul.u32 $0xA000, s1;
	s7 =	sand.u32 $0x1, s7  }
0xa: {  	[smem:$0x7FF] =	sst s3;
	s12 =	sshll.u32 s1, $0x1;
	s30 =	sshll.u32 s1, $0x6  }
0xb: {  	s10 =	smul.u32 $0x50000, s7;
	_ =	strace $0x80000047;
	s28 =	ssub.s32 $0x2, s7  }
0xc: {  	s12 =	sor.u32 s7, s12;
	s14 =	smul.u32 $0x5000, s7;
	s9 =	sshrl.u32 s5, $0x3  }
0xd: {  	s11 =	sadd.s32 s8, s4;
	s13 =	sshrl.u32 s28, $0x1;
	s12 =	smul.u32 $0x280, s12  }
0xe: {  	s29 =	sadd.s32 s5, s2;
	s25 =	sadd.s32 s9, s4;
	s26 =	sadd.s32 s5, s10  }
0xf: {  	s10 =	ssub.s32 s28, s13;
	s5 =	sor.u32 $0x1C01, s30;
	s31 =	sadd.s32 s14, s11  }
0x10: {  	s11 =	simm.s32 $0x1;
	s13 =	simm.s32 $0x80;
	s14 =	simm.s32 $0x2400  }
0x11: {  	s9 =	sshrl.u32 s26, $0x3;
	s6 =	sadd.s32 s6, s12;
	s8 =	smax.u32 s10, $0x1  }
0x12: {  	s10 =	sshrl.u32 s29, $0x3;
	s12 =	simm.s32 $0x1400;
	s9 =	sadd.s32 s9, s4  }
0x13: {  	s4 =	sadd.s32 $0xA1000, s25;
	s7 =	sadd.s32 $0xAB000, s9;
	s9 =	sadd.s32 $0x1000, s31  }
.LBB2_1:
0x14: {  	[spmem:s10], [sflag:s5] =	dma.local [hbm:s4], $0xA00  }
0x15: {  	_ =	swait.ge [sflag:s11], $0xA00  }
0x16: {  	[sflag:s11] =	ssyncset.done $0x0  }
0x17: {  	[sflag:s11] =	ssyncadd.s32 $0xFFFFF600  }
0x18: {  	[tilespmem:s3], [sflag:$0x1] =	stream.linear.gather [hbm4b:s6+s3], $0x1400, $0x38;
	[tilespmem:$0x10400] =	vst v63  }
0x19: {  	_ =	swait.ge [sflag:s11], $0x1400  }
0x1a: {  	[sflag:s11] =	ssyncset.done $0x0  }
0x1b: {  	[sflag:s11] =	ssyncadd.s32 $0xFFFFEC00  }
0x1c: {  	s24 =	sadd.s32 $0x0, s9;
	[bflag:$0x0] =	sbarrier.arrive $0xFFFF  }
0x1d: {  	[tilespmem:s12], [sflag:$0x1] =	stream.linear.gather [hbm4b:s24+s3], $0xA000, $0x38;
	[tilespmem:$0x10400] =	vst v63  }
0x1e: {  	_ =	swait.ge [sflag:s11], $0xA000  }
0x1f: {  	[sflag:s11] =	ssyncset.done $0x0  }
0x20: {  	s28 =	simm.s32 $0x0;
	[sflag:s11] =	ssyncadd.s32 $0xFFFF6000  }
0x21: {  	[spmem:s2] =	stream.indirect.scatter.add.f32 [tilespmem:s12], [sflag:$0x1], $0x20, s28, s13, $0xb8;
	[tilespmem:$0x10400] =	vst v63  }
0x22: {  	_ =	swait.ge [sflag:s11], $0x1000  }
0x23: {  	[sflag:s11] =	ssyncset.done $0x0  }
0x24: {  	s29 =	simm.s32 $0x80;
	[sflag:s11] =	ssyncadd.s32 $0xFFFFF000  }
0x25: {  	[spmem:s2] =	stream.indirect.scatter.add.f32 [tilespmem:s14], [sflag:$0x1], $0x20, s29, s13, $0xb8;
	[tilespmem:$0x10400] =	vst v63  }
0x26: {  	_ =	swait.ge [sflag:s11], $0x1000  }
0x27: {  	[sflag:s11] =	ssyncset.done $0x0  }
0x28: {  	s30 =	simm.s32 $0x100;
	[sflag:s11] =	ssyncadd.s32 $0xFFFFF000  }
0x29: {  	[spmem:s2] =	stream.indirect.scatter.add.f32 [tilespmem:s15], [sflag:$0x1], $0x20, s30, s13, $0xb8;
	[tilespmem:$0x10400] =	vst v63  }
0x2a: {  	_ =	swait.ge [sflag:s11], $0x1000  }
0x2b: {  	[sflag:s11] =	ssyncset.done $0x0  }
0x2c: {  	s31 =	simm.s32 $0x180;
	[sflag:s11] =	ssyncadd.s32 $0xFFFFF000  }
0x2d: {  	[spmem:s2] =	stream.indirect.scatter.add.f32 [tilespmem:s16], [sflag:$0x1], $0x20, s31, s13, $0xb8;
	[tilespmem:$0x10400] =	vst v63  }
0x2e: {  	_ =	swait.ge [sflag:s11], $0x1000  }
0x2f: {  	[sflag:s11] =	ssyncset.done $0x0  }
0x30: {  	s25 =	simm.s32 $0x200;
	[sflag:s11] =	ssyncadd.s32 $0xFFFFF000  }
0x31: {  	[spmem:s2] =	stream.indirect.scatter.add.f32 [tilespmem:s17], [sflag:$0x1], $0x20, s25, s13, $0xb8;
	[tilespmem:$0x10400] =	vst v63  }
0x32: {  	_ =	swait.ge [sflag:s11], $0x1000  }
0x33: {  	[sflag:s11] =	ssyncset.done $0x0  }
0x34: {  	s26 =	simm.s32 $0x280;
	[sflag:s11] =	ssyncadd.s32 $0xFFFFF000  }
0x35: {  	[spmem:s2] =	stream.indirect.scatter.add.f32 [tilespmem:s18], [sflag:$0x1], $0x20, s26, s13, $0xb8;
	[tilespmem:$0x10400] =	vst v63  }
0x36: {  	_ =	swait.ge [sflag:s11], $0x1000  }
0x37: {  	[sflag:s11] =	ssyncset.done $0x0  }
0x38: {  	s28 =	simm.s32 $0x300;
	[sflag:s11] =	ssyncadd.s32 $0xFFFFF000  }
0x39: {  	[spmem:s2] =	stream.indirect.scatter.add.f32 [tilespmem:s19], [sflag:$0x1], $0x20, s28, s13, $0xb8;
	[tilespmem:$0x10400] =	vst v63  }
0x3a: {  	_ =	swait.ge [sflag:s11], $0x1000  }
0x3b: {  	[sflag:s11] =	ssyncset.done $0x0  }
0x3c: {  	s29 =	simm.s32 $0x380;
	[sflag:s11] =	ssyncadd.s32 $0xFFFFF000  }
0x3d: {  	[spmem:s2] =	stream.indirect.scatter.add.f32 [tilespmem:s20], [sflag:$0x1], $0x20, s29, s13, $0xb8;
	[tilespmem:$0x10400] =	vst v63  }
0x3e: {  	_ =	swait.ge [sflag:s11], $0x1000  }
0x3f: {  	[sflag:s11] =	ssyncset.done $0x0  }
0x40: {  	s30 =	simm.s32 $0x400;
	[sflag:s11] =	ssyncadd.s32 $0xFFFFF000  }
0x41: {  	[spmem:s2] =	stream.indirect.scatter.add.f32 [tilespmem:s21], [sflag:$0x1], $0x20, s30, s13, $0xb8;
	[tilespmem:$0x10400] =	vst v63  }
0x42: {  	_ =	swait.ge [sflag:s11], $0x1000  }
0x43: {  	[sflag:s11] =	ssyncset.done $0x0  }
0x44: {  	s31 =	simm.s32 $0x480;
	[sflag:s11] =	ssyncadd.s32 $0xFFFFF000  }
0x45: {  	[spmem:s2] =	stream.indirect.scatter.add.f32 [tilespmem:s22], [sflag:$0x1], $0x20, s31, s13, $0xb8;
	[tilespmem:$0x10400] =	vst v63  }
0x46: {  	_ =	swait.ge [sflag:s11], $0x1000  }
0x47: {  	s24 =	simm.s32 $0x1400;
	s26 =	simm.s32 $0x2800;
	[sflag:s11] =	ssyncset.done $0x0  }
.LBB2_2:
0x48: {  	s28 =	sadd.s32 s24, s9  }
0x49: {  	[sflag:s11] =	ssyncadd.s32 $0xFFFFF000;
	s29 =	smov.u32 s26;
	s25 =	sadd.s32 $0x1400, s26  }
0x4a: {  	[tilespmem:s12], [sflag:$0x1] =	stream.linear.gather [hbm4b:s28+s3], $0xA000, $0x38;
	[tilespmem:$0x10400] =	vst v63  }
0x4b: {  	p0 =	sne.s32 s26, $0x3C00;
	_ =	swait.ge [sflag:s11], $0xA000  }
0x4c: {  	[sflag:s11] =	ssyncset.done $0x0  }
0x4d: {  	s26 =	sshra.s32 s24, $0x2;
	s24 =	smov.u32 s29;
	[sflag:s11] =	ssyncadd.s32 $0xFFFF6000  }
0x4e: {  	[spmem:s2] =	stream.indirect.scatter.add.f32 [tilespmem:s12], [sflag:$0x1], $0x20, s26, s13, $0xb8;
	[tilespmem:$0x10400] =	vst v63  }
0x4f: {  	_ =	swait.ge [sflag:s11], $0x1000  }
0x50: {  	[sflag:s11] =	ssyncset.done $0x0  }
0x51: {  	s28 =	sadd.s32 $0x80, s26;
	[sflag:s11] =	ssyncadd.s32 $0xFFFFF000  }
0x52: {  	[spmem:s2] =	stream.indirect.scatter.add.f32 [tilespmem:s14], [sflag:$0x1], $0x20, s28, s13, $0xb8;
	[tilespmem:$0x10400] =	vst v63  }
0x53: {  	_ =	swait.ge [sflag:s11], $0x1000  }
0x54: {  	[sflag:s11] =	ssyncset.done $0x0  }
0x55: {  	s28 =	sadd.s32 $0x100, s26;
	[sflag:s11] =	ssyncadd.s32 $0xFFFFF000  }
0x56: {  	[spmem:s2] =	stream.indirect.scatter.add.f32 [tilespmem:s15], [sflag:$0x1], $0x20, s28, s13, $0xb8;
	[tilespmem:$0x10400] =	vst v63  }
0x57: {  	_ =	swait.ge [sflag:s11], $0x1000  }
0x58: {  	[sflag:s11] =	ssyncset.done $0x0  }
0x59: {  	s28 =	sadd.s32 $0x180, s26;
	[sflag:s11] =	ssyncadd.s32 $0xFFFFF000  }
0x5a: {  	[spmem:s2] =	stream.indirect.scatter.add.f32 [tilespmem:s16], [sflag:$0x1], $0x20, s28, s13, $0xb8;
	[tilespmem:$0x10400] =	vst v63  }
0x5b: {  	_ =	swait.ge [sflag:s11], $0x1000  }
0x5c: {  	[sflag:s11] =	ssyncset.done $0x0  }
0x5d: {  	s28 =	sadd.s32 $0x200, s26;
	[sflag:s11] =	ssyncadd.s32 $0xFFFFF000  }
0x5e: {  	[spmem:s2] =	stream.indirect.scatter.add.f32 [tilespmem:s17], [sflag:$0x1], $0x20, s28, s13, $0xb8;
	[tilespmem:$0x10400] =	vst v63  }
0x5f: {  	_ =	swait.ge [sflag:s11], $0x1000  }
0x60: {  	[sflag:s11] =	ssyncset.done $0x0  }
0x61: {  	s28 =	sadd.s32 $0x280, s26;
	[sflag:s11] =	ssyncadd.s32 $0xFFFFF000  }
0x62: {  	[spmem:s2] =	stream.indirect.scatter.add.f32 [tilespmem:s18], [sflag:$0x1], $0x20, s28, s13, $0xb8;
	[tilespmem:$0x10400] =	vst v63  }
0x63: {  	_ =	swait.ge [sflag:s11], $0x1000  }
0x64: {  	[sflag:s11] =	ssyncset.done $0x0  }
0x65: {  	s28 =	sadd.s32 $0x300, s26;
	[sflag:s11] =	ssyncadd.s32 $0xFFFFF000  }
0x66: {  	[spmem:s2] =	stream.indirect.scatter.add.f32 [tilespmem:s19], [sflag:$0x1], $0x20, s28, s13, $0xb8;
	[tilespmem:$0x10400] =	vst v63  }
0x67: {  	_ =	swait.ge [sflag:s11], $0x1000  }
0x68: {  	[sflag:s11] =	ssyncset.done $0x0  }
0x69: {  	s28 =	sadd.s32 $0x380, s26;
	[sflag:s11] =	ssyncadd.s32 $0xFFFFF000  }
0x6a: {  	[spmem:s2] =	stream.indirect.scatter.add.f32 [tilespmem:s20], [sflag:$0x1], $0x20, s28, s13, $0xb8;
	[tilespmem:$0x10400] =	vst v63  }
0x6b: {  	_ =	swait.ge [sflag:s11], $0x1000  }
0x6c: {  	[sflag:s11] =	ssyncset.done $0x0  }
0x6d: {  	s28 =	sadd.s32 $0x400, s26;
	[sflag:s11] =	ssyncadd.s32 $0xFFFFF000  }
0x6e: {  	[spmem:s2] =	stream.indirect.scatter.add.f32 [tilespmem:s21], [sflag:$0x1], $0x20, s28, s13, $0xb8;
	[tilespmem:$0x10400] =	vst v63  }
0x6f: {  	_ =	swait.ge [sflag:s11], $0x1000  }
.Ltmp0:
0x70: {  	[sflag:s11] =	ssyncset.done $0x0;
	(pc) =	sbr.rel @p0 .LBB2_2-.Ltmp0, $4  }
0x71: {  	s26 =	sadd.s32 $0x480, s26;
	[sflag:s11] =	ssyncadd.s32 $0xFFFFF000  }
0x72: {  	[spmem:s2] =	stream.indirect.scatter.add.f32 [tilespmem:s22], [sflag:$0x1], $0x20, s26, s13, $0xb8;
	[tilespmem:$0x10400] =	vst v63  }
0x73: {  	_ =	swait.ge [sflag:s11], $0x1000  }
0x74: {  	s26 =	smov.u32 s25;
	[sflag:s11] =	ssyncset.done $0x0  }
0x75: {  	s25 =	sadd.s32 s24, s9;
	[sflag:s11] =	ssyncadd.s32 $0xFFFFF000  }
0x76: {  	[tilespmem:s12], [sflag:$0x1] =	stream.linear.gather [hbm4b:s25+s3], $0xA000, $0x38;
	[tilespmem:$0x10400] =	vst v63  }
0x77: {  	_ =	swait.ge [sflag:s11], $0xA000  }
0x78: {  	[sflag:s11] =	ssyncset.done $0x0  }
0x79: {  	s24 =	sshra.s32 s24, $0x2;
	[sflag:s11] =	ssyncadd.s32 $0xFFFF6000  }
0x7a: {  	[spmem:s2] =	stream.indirect.scatter.add.f32 [tilespmem:s12], [sflag:$0x1], $0x20, s24, s13, $0xb8;
	[tilespmem:$0x10400] =	vst v63  }
0x7b: {  	_ =	swait.ge [sflag:s11], $0x1000  }
0x7c: {  	[sflag:s11] =	ssyncset.done $0x0  }
0x7d: {  	s29 =	sadd.s32 $0x80, s24;
	[sflag:s11] =	ssyncadd.s32 $0xFFFFF000  }
0x7e: {  	[spmem:s2] =	stream.indirect.scatter.add.f32 [tilespmem:s14], [sflag:$0x1], $0x20, s29, s13, $0xb8;
	[tilespmem:$0x10400] =	vst v63  }
0x7f: {  	_ =	swait.ge [sflag:s11], $0x1000  }
0x80: {  	[sflag:s11] =	ssyncset.done $0x0  }
0x81: {  	s30 =	sadd.s32 $0x100, s24;
	[sflag:s11] =	ssyncadd.s32 $0xFFFFF000  }
0x82: {  	[spmem:s2] =	stream.indirect.scatter.add.f32 [tilespmem:s15], [sflag:$0x1], $0x20, s30, s13, $0xb8;
	[tilespmem:$0x10400] =	vst v63  }
0x83: {  	_ =	swait.ge [sflag:s11], $0x1000  }
0x84: {  	[sflag:s11] =	ssyncset.done $0x0  }
0x85: {  	s31 =	sadd.s32 $0x180, s24;
	[sflag:s11] =	ssyncadd.s32 $0xFFFFF000  }
0x86: {  	[spmem:s2] =	stream.indirect.scatter.add.f32 [tilespmem:s16], [sflag:$0x1], $0x20, s31, s13, $0xb8;
	[tilespmem:$0x10400] =	vst v63  }
0x87: {  	_ =	swait.ge [sflag:s11], $0x1000  }
0x88: {  	[sflag:s11] =	ssyncset.done $0x0  }
0x89: {  	s26 =	sadd.s32 $0x200, s24;
	[sflag:s11] =	ssyncadd.s32 $0xFFFFF000  }
0x8a: {  	[spmem:s2] =	stream.indirect.scatter.add.f32 [tilespmem:s17], [sflag:$0x1], $0x20, s26, s13, $0xb8;
	[tilespmem:$0x10400] =	vst v63  }
0x8b: {  	_ =	swait.ge [sflag:s11], $0x1000  }
0x8c: {  	[sflag:s11] =	ssyncset.done $0x0  }
0x8d: {  	s28 =	sadd.s32 $0x280, s24;
	[sflag:s11] =	ssyncadd.s32 $0xFFFFF000  }
0x8e: {  	[spmem:s2] =	stream.indirect.scatter.add.f32 [tilespmem:s18], [sflag:$0x1], $0x20, s28, s13, $0xb8;
	[tilespmem:$0x10400] =	vst v63  }
0x8f: {  	_ =	swait.ge [sflag:s11], $0x1000  }
0x90: {  	[sflag:s11] =	ssyncset.done $0x0  }
0x91: {  	s29 =	sadd.s32 $0x300, s24;
	[sflag:s11] =	ssyncadd.s32 $0xFFFFF000  }
0x92: {  	[spmem:s2] =	stream.indirect.scatter.add.f32 [tilespmem:s19], [sflag:$0x1], $0x20, s29, s13, $0xb8;
	[tilespmem:$0x10400] =	vst v63  }
0x93: {  	_ =	swait.ge [sflag:s11], $0x1000  }
0x94: {  	[sflag:s11] =	ssyncset.done $0x0  }
0x95: {  	s30 =	sadd.s32 $0x380, s24;
	[sflag:s11] =	ssyncadd.s32 $0xFFFFF000  }
0x96: {  	[spmem:s2] =	stream.indirect.scatter.add.f32 [tilespmem:s20], [sflag:$0x1], $0x20, s30, s13, $0xb8;
	[tilespmem:$0x10400] =	vst v63  }
0x97: {  	_ =	swait.ge [sflag:s11], $0x1000  }
0x98: {  	[sflag:s11] =	ssyncset.done $0x0  }
0x99: {  	s31 =	sadd.s32 $0x400, s24;
	[sflag:s11] =	ssyncadd.s32 $0xFFFFF000  }
0x9a: {  	[spmem:s2] =	stream.indirect.scatter.add.f32 [tilespmem:s21], [sflag:$0x1], $0x20, s31, s13, $0xb8;
	[tilespmem:$0x10400] =	vst v63  }
0x9b: {  	_ =	swait.ge [sflag:s11], $0x1000  }
0x9c: {  	[sflag:s11] =	ssyncset.done $0x0  }
0x9d: {  	s24 =	sadd.s32 $0x480, s24;
	[sflag:s11] =	ssyncadd.s32 $0xFFFFF000  }
0x9e: {  	[spmem:s2] =	stream.indirect.scatter.add.f32 [tilespmem:s22], [sflag:$0x1], $0x20, s24, s13, $0xb8;
	[tilespmem:$0x10400] =	vst v63  }
0x9f: {  	_ =	swait.ge [sflag:s11], $0x1000  }
0xa0: {  	s23 =	sadd.s32 $0x1, s23;
	[sflag:s11] =	ssyncset.done $0x0  }
0xa1: {  	p0 =	sne.s32 s23, s8;
	[sflag:s11] =	ssyncadd.s32 $0xFFFFF000  }
.Ltmp1:
0xa2: {  	[bflag:$0x0] =	sbarrier.arrive $0xFFFF;
	(pc) =	sbr.rel @p0 .LBB2_1-.Ltmp1, $4  }
0xa3: {  	[hbm:s7], [sflag:s5] =	dma.local [spmem:s10], $0xA00  }
0xa4: {  	_ =	swait.ge [sflag:s11], $0xA00  }
0xa5: {  	[sflag:s11] =	ssyncset.done $0x0  }
0xa6: {  	[sflag:s11] =	ssyncadd.s32 $0xFFFFF600  }
0xa7: {  	_ =	sfence.sel $0x180000  }
0xa8: {  	[bflag:$0x0] =	sbarrier.arrive $0xFFFF  }
0xa9: {  	p0 =	sne.s32 s1, $0x0;
	_ =	strace $0x90000047  }
0xaa: {  	s0 =	sadd.s32 @!p0 $0x100000, s0;
	[bflag:$0x2] =	sbarrier.arrive $0xFFFF  }
0xab: {  	[sflag:s0] =	ssyncadd.tile.s32 @!p0 $0x1;
	_ =	shalt  }
.Lfunc_end2:
_tile_overlayer_lowered:
.L_overlay_start_2:
0xac: {  	(tag) =	ssettag $0x2  }
0xad: {  	s0 =	rddreg [dreg:$0x0];
	s2 =	stileid.u32  }
0xae: {  	s1 =	rddreg [dreg:$0x1];
	p0 =	sne.s32 s2, $0x0  }
0xaf: {  	s3 =	rddreg [dreg:$0x2];
	[bflag:$0x3] =	sbarrier.arrive $0xFFFF;
	s2 =	simm.s32 @!p0 $0x1C01  }
0xb0: {  	[timem:s3], [sflag:s2] =	dma.local @!p0 [hbm:s0], s1  }
0xb1: {  	s0 =	simm.s32 @!p0 $0x1  }
0xb2: {  	_ =	swait.ge @!p0 [sflag:s0], s1  }
0xb3: {  	s1 =	ssub.s32 @!p0 $0x0, s1;
	[sflag:s0] =	ssyncset.done @!p0 $0x0  }
0xb4: {  	[sflag:s0] =	ssyncadd.s32 @!p0 s1  }
0xb5: {  	[bflag:$0x3] =	sbarrier.arrive $0xFFFF  }
0xb6: {  	_ =	shalt  }

</sc_bundles>
